<compile_context>
chip_gen: v7x
topology: tpu7x:2x2x1
jax: 0.10.2.dev20260603
libtpu: 0.0.44.dev20260713+nightly
codegen_flags: <defaults>
</compile_context>

<pallas_src>
import functools

import jax
import jax.numpy as jnp
from jax import lax
from jax.experimental import pallas as pl
from jax.experimental.pallas import tpu as pltpu
from jax.experimental.pallas import tpu_sc as plsc

FDIM = 128

_NC = 2
_NS = 16
_NW = _NC * _NS

_SC_PARAMS = pltpu.CompilerParams(use_tc_tiling_on_sc=False,
                                  needs_layout_passes=False)
_MESH = dict(core_axis_name="c", subcore_axis_name="s")



def _spmm_body(nch, rpt, chunk, eper, z_hbm, srcp, dstp, out_hbm,
               src_v, dst_v, b0, b1, b2, b3, acc,
               g0, g1, g2, g3, s0, s1, s2, s3):
    c = lax.axis_index("c")
    s = lax.axis_index("s")
    wid = c * _NS + s
    bufs = (b0, b1, b2, b3)
    gsem = (g0, g1, g2, g3)
    ssem = (s0, s1, s2, s3)

    pltpu.sync_copy(srcp.at[pl.ds(wid * eper, eper)], src_v)
    pltpu.sync_copy(dstp.at[pl.ds(wid * eper, eper)], dst_v)

    base = s * rpt
    pltpu.sync_copy(z_hbm.at[pl.ds(base, rpt)], acc.at[pl.ds(base, rpt)])
    plsc.subcore_barrier()

    def idx(ref, j):
        return ref.at[pl.ds(j * chunk, chunk)]

    def gather(j, k):
        return pltpu.async_copy(z_hbm.at[idx(src_v, j)], bufs[k], gsem[k])

    def gather_wait(j, k):
        pltpu.make_async_copy(z_hbm.at[idx(src_v, j)], bufs[k],
                              gsem[k]).wait()

    def scatter(j, k):
        return pltpu.async_copy(bufs[k], acc.at[idx(dst_v, j)], ssem[k],
                                add=True)

    def scatter_wait(j, k):
        pltpu.make_async_copy(bufs[k], acc.at[idx(dst_v, j)], ssem[k]).wait()

    nb = len(bufs)
    for j in range(nb - 1):
        gather(j, j)
    gather_wait(0, 0)
    scatter(0, 0)
    gather(nb - 1, nb - 1)

    def body(i, carry):
        for dj in range(nb):
            j = nb * i + 1 + dj
            k = (1 + dj) % nb
            kn = dj % nb
            gather_wait(j, k)
            scatter(j, k)
            scatter_wait(j - 1, kn)
            gather(j + nb - 1, kn)
        return carry

    lax.fori_loop(0, (nch - nb) // nb, body, 0)
    for dj in range(nb - 1):
        j = nch - (nb - 1) + dj
        gather_wait(j, j % nb)
        scatter(j, j % nb)
    for j in range(nch - nb, nch):
        scatter_wait(j, j % nb)
    plsc.subcore_barrier()

    pltpu.sync_copy(acc.at[pl.ds(base, rpt)], out_hbm.at[c, pl.ds(base, rpt)])


@functools.lru_cache(maxsize=None)
def _make_spmm(npad, eper, chunk):
    rpt = npad // _NS
    nch = eper // chunk
    sem = pltpu.SemaphoreType.DMA
    return pl.kernel(
        functools.partial(_spmm_body, nch, rpt, chunk, eper),
        out_type=jax.ShapeDtypeStruct((_NC, npad, FDIM), jnp.float32),
        mesh=plsc.VectorSubcoreMesh(**_MESH),
        compiler_params=_SC_PARAMS,
        scratch_types=[
            pltpu.VMEM((eper,), jnp.int32),
            pltpu.VMEM((eper,), jnp.int32),
            pltpu.VMEM((chunk, FDIM), jnp.float32),
            pltpu.VMEM((chunk, FDIM), jnp.float32),
            pltpu.VMEM((chunk, FDIM), jnp.float32),
            pltpu.VMEM((chunk, FDIM), jnp.float32),
            pltpu.VMEM_SHARED((npad, FDIM), jnp.float32),
            sem, sem, sem, sem, sem, sem, sem, sem,
        ],
    )



def _publish_reduce(s, c, part_v, shared, tmp, red, out_hbm, seg):
    pltpu.sync_copy(part_v, shared.at[s])
    plsc.subcore_barrier()
    pltpu.sync_copy(shared.at[:, pl.ds(s * seg, seg)], tmp)

    def rr(i, c2):
        v = pl.ds(i * 16, 16)
        a = tmp[0, v]
        for w in range(1, _NS):
            a = a + tmp[w, v]
        red[v] = a
        return c2

    lax.fori_loop(0, seg // 16, rr, 0)
    pltpu.sync_copy(red, out_hbm.at[c, pl.ds(s * seg, seg)])



def _deg_body(eper, npad, dstp, out_hbm, dst_v, hist, tmp, red, shared):
    c = lax.axis_index("c")
    s = lax.axis_index("s")
    wid = c * _NS + s
    pltpu.sync_copy(dstp.at[pl.ds(wid * eper, eper)], dst_v)

    def z(i, carry):
        hist[pl.ds(i * 16, 16)] = jnp.zeros((16,), jnp.float32)
        return carry

    lax.fori_loop(0, npad // 16, z, 0)
    ones = jnp.ones((16,), jnp.float32)

    def b(i, carry):
        idx = dst_v[pl.ds(i * 16, 16)]
        plsc.addupdate_scatter(hist, [idx], ones)
        return carry

    lax.fori_loop(0, eper // 16, b, 0)
    _publish_reduce(s, c, hist, shared, tmp, red, out_hbm, npad // _NS)


@functools.lru_cache(maxsize=None)
def _make_deg(npad, eper):
    seg = npad // _NS
    return pl.kernel(
        functools.partial(_deg_body, eper, npad),
        out_type=jax.ShapeDtypeStruct((_NC, npad), jnp.float32),
        mesh=plsc.VectorSubcoreMesh(**_MESH),
        compiler_params=_SC_PARAMS,
        scratch_types=[
            pltpu.VMEM((eper,), jnp.int32),
            pltpu.VMEM((npad,), jnp.float32),
            pltpu.VMEM((_NS, seg), jnp.float32),
            pltpu.VMEM((seg,), jnp.float32),
            pltpu.VMEM_SHARED((_NS, npad), jnp.float32),
        ],
    )



def _l2_body(eper, npad, zg_hbm, srcp, dstp, out_hbm,
             src_v, dst_v, zg_v, hist, tmp, red, shared, m0, m1, m2):
    c = lax.axis_index("c")
    s = lax.axis_index("s")
    wid = c * _NS + s
    d0 = pltpu.async_copy(srcp.at[pl.ds(wid * eper, eper)], src_v, m0)
    d1 = pltpu.async_copy(dstp.at[pl.ds(wid * eper, eper)], dst_v, m1)
    d2 = pltpu.async_copy(zg_hbm, zg_v, m2)

    def z(i, carry):
        hist[pl.ds(i * 16, 16)] = jnp.zeros((16,), jnp.float32)
        return carry

    lax.fori_loop(0, (npad * 2) // 16, z, 0)
    d0.wait()
    d1.wait()
    d2.wait()

    def b(i, carry):
        si = src_v[pl.ds(i * 16, 16)] * 2
        di = dst_v[pl.ds(i * 16, 16)] * 2
        v0 = plsc.load_gather(zg_v, [si])
        v1 = plsc.load_gather(zg_v, [si + 1])
        plsc.addupdate_scatter(hist, [di], v0)
        plsc.addupdate_scatter(hist, [di + 1], v1)
        return carry

    lax.fori_loop(0, eper // 16, b, 0)
    _publish_reduce(s, c, hist, shared, tmp, red, out_hbm,
                    (npad * 2) // _NS)


@functools.lru_cache(maxsize=None)
def _make_l2(npad, eper):
    seg = (npad * 2) // _NS
    return pl.kernel(
        functools.partial(_l2_body, eper, npad),
        out_type=jax.ShapeDtypeStruct((_NC, npad * 2), jnp.float32),
        mesh=plsc.VectorSubcoreMesh(**_MESH),
        compiler_params=_SC_PARAMS,
        scratch_types=[
            pltpu.VMEM((eper,), jnp.int32),
            pltpu.VMEM((eper,), jnp.int32),
            pltpu.VMEM((npad * 2,), jnp.float32),
            pltpu.VMEM((npad * 2,), jnp.float32),
            pltpu.VMEM((_NS, seg), jnp.float32),
            pltpu.VMEM((seg,), jnp.float32),
            pltpu.VMEM_SHARED((_NS, npad * 2), jnp.float32),
            pltpu.SemaphoreType.DMA,
            pltpu.SemaphoreType.DMA,
            pltpu.SemaphoreType.DMA,
        ],
    )



def _mm_body(x_ref, w_ref, o_ref):
    o_ref[...] = jnp.dot(x_ref[...], w_ref[...],
                         preferred_element_type=jnp.float32)


def _matmul(x, w, blk):
    m, k = x.shape
    _, n = w.shape
    return pl.pallas_call(
        _mm_body,
        grid=(m // blk,),
        in_specs=[
            pl.BlockSpec((blk, k), lambda i: (i, 0)),
            pl.BlockSpec((k, n), lambda i: (0, 0)),
        ],
        out_specs=pl.BlockSpec((blk, n), lambda i: (i, 0)),
        out_shape=jax.ShapeDtypeStruct((m, n), jnp.float32),
    )(x, w)


def _scale_body(d_ref, y_ref, o_ref):
    o_ref[...] = lax.rsqrt(d_ref[...]) * y_ref[...]


def _scale(degc, y, blk):
    m, k = y.shape
    return pl.pallas_call(
        _scale_body,
        grid=(m // blk,),
        in_specs=[
            pl.BlockSpec((blk, 1), lambda i: (i, 0)),
            pl.BlockSpec((blk, k), lambda i: (i, 0)),
        ],
        out_specs=pl.BlockSpec((blk, k), lambda i: (i, 0)),
        out_shape=jax.ShapeDtypeStruct((m, k), jnp.float32),
    )(degc, y)


def _combine_mm_body(d_ref, a_ref, z_ref, b_ref, w_ref, o_ref):
    dis = lax.rsqrt(d_ref[...])
    h = dis * (a_ref[0] + a_ref[1] - z_ref[...]) + b_ref[...]
    h = jnp.maximum(h, 0.0)
    o_ref[...] = dis * jnp.dot(h, w_ref[...],
                               preferred_element_type=jnp.float32)


def _combine_matmul(degc, acc, z, b1, w2, blk):
    m, k = z.shape
    n = w2.shape[1]
    return pl.pallas_call(
        _combine_mm_body,
        grid=(m // blk,),
        in_specs=[
            pl.BlockSpec((blk, 1), lambda i: (i, 0)),
            pl.BlockSpec((2, blk, k), lambda i: (0, i, 0)),
            pl.BlockSpec((blk, k), lambda i: (i, 0)),
            pl.BlockSpec((1, k), lambda i: (0, 0)),
            pl.BlockSpec((k, n), lambda i: (0, 0)),
        ],
        out_specs=pl.BlockSpec((blk, n), lambda i: (i, 0)),
        out_shape=jax.ShapeDtypeStruct((m, n), jnp.float32),
    )(degc, acc, z, b1, w2)


def _epilogue_body(d_ref, a2_ref, zg_ref, b2_ref, o_ref):
    dis = lax.rsqrt(d_ref[...])
    o_ref[...] = dis * (a2_ref[0] + a2_ref[1] + zg_ref[...]) + b2_ref[...]


def _epilogue(degc, acc2, zg2, b2r, n):
    return pl.pallas_call(
        _epilogue_body,
        grid=(1,),
        in_specs=[
            pl.BlockSpec((n, 1), lambda i: (0, 0)),
            pl.BlockSpec((2, n, 2), lambda i: (0, 0, 0)),
            pl.BlockSpec((n, 2), lambda i: (0, 0)),
            pl.BlockSpec((1, 2), lambda i: (0, 0)),
        ],
        out_specs=pl.BlockSpec((n, 2), lambda i: (0, 0)),
        out_shape=jax.ShapeDtypeStruct((n, 2), jnp.float32),
    )(degc, acc2, zg2, b2r)


def kernel(x, edge_index, W1, b1, W2, b2):
    n = x.shape[0]
    e = edge_index.shape[1]
    npad = ((n + 2047) // 2048) * 2048
    blk = npad // 5
    ei = edge_index.astype(jnp.int32)

    grain = _NW * 128 * 3
    epad = ((e + grain - 1) // grain) * grain
    eper = epad // _NW
    fill = n + (jnp.arange(epad - e, dtype=jnp.int32) & 127)
    srcp = jnp.concatenate([ei[0], fill])
    dstp = jnp.concatenate([ei[1], fill])

    dacc = _make_deg(npad, eper)(dstp)
    xp = jnp.pad(x, ((0, npad - n), (0, 0)))
    y = _matmul(xp, W1, blk)
    degc = (dacc[0] + dacc[1] + 1.0)[:, None]

    z = _scale(degc, y, blk)
    acc = _make_spmm(npad, eper, 48)(z, srcp, dstp)
    zg2 = _combine_matmul(degc, acc, z, b1[None, :], W2, blk)

    s2 = _make_l2(npad, eper)(zg2.reshape(-1), srcp, dstp)
    return _epilogue(degc, s2.reshape(_NC, npad, 2), zg2,
                     b2[None, :], n)

# --- scband reference (transcript-rebuilt; emitter-appended) ---
"""Pipeline reference for scband-gcn-67164698575457 (READ-ONLY COPY).

The authoritative reference and input builder live on the scoring server;
editing this copy changes nothing except your own understanding.
"""

import jax, jax.numpy as jnp
import numpy as np

N_NODES = 10000
IN_DIM = 128
HIDDEN_DIM = 128
OUT_DIM = 2
N_EDGES = 320000


def setup_inputs(seed: int = 0) -> dict:
    key = jax.random.key(seed)
    k1, k2, k3, k4, k5, k6 = jax.random.split(key, 6)
    x = jax.random.normal(k1, (N_NODES, IN_DIM), dtype=jnp.float32)
    edge_index = jax.random.randint(k2, (2, N_EDGES), 0, N_NODES, dtype=jnp.int64)
    # GCNConv weights (glorot-style scale)
    W1 = jax.random.normal(k3, (IN_DIM, HIDDEN_DIM), dtype=jnp.float32) * (1.0 / np.sqrt(IN_DIM))
    b1 = jnp.zeros((HIDDEN_DIM,), dtype=jnp.float32)
    W2 = jax.random.normal(k4, (HIDDEN_DIM, OUT_DIM), dtype=jnp.float32) * (1.0 / np.sqrt(HIDDEN_DIM))
    b2 = jnp.zeros((OUT_DIM,), dtype=jnp.float32)
    return {"x": x, "edge_index": edge_index, "W1": W1, "b1": b1, "W2": W2, "b2": b2}


def gcn_conv(x, edge_index, W, b, num_nodes):
    # x' = x @ W
    x = x @ W
    src = edge_index[0]
    dst = edge_index[1]
    # add self loops
    loop = jnp.arange(num_nodes, dtype=src.dtype)
    src = jnp.concatenate([src, loop])
    dst = jnp.concatenate([dst, loop])
    # symmetric normalization: deg computed on dst with unit edge weights
    deg = jnp.zeros((num_nodes,), dtype=x.dtype).at[dst].add(1.0)
    deg_inv_sqrt = jnp.where(deg > 0, deg ** -0.5, 0.0)
    norm = deg_inv_sqrt[src] * deg_inv_sqrt[dst]
    # message passing: gather from src, scale, scatter-add to dst
    msgs = norm[:, None] * x[src]
    out = jnp.zeros((num_nodes, x.shape[1]), dtype=x.dtype).at[dst].add(msgs)
    return out + b


def reference(x, edge_index, W1, b1, W2, b2):
    n = x.shape[0]
    h = gcn_conv(x, edge_index, W1, b1, n)
    h = jax.nn.relu(h)
    # dropout p=0.0 / eval mode -> identity
    out = gcn_conv(h, edge_index, W2, b2, n)
    return out

if __name__ == "__main__":
    import jax
    _d = setup_inputs()
    print(jax.jit(kernel)(*tuple(_d.values())))

</pallas_src>

<mosaic_0001>
#map = affine_map<(d0, d1) -> (0, 0)>
#map1 = affine_map<(d0, d1) -> (0)>
#map2 = affine_map<(d0, d1) -> (0, 0, 0)>
module attributes {stable_mosaic.version = 14 : i64} {
  func.func @_spmm_body(%arg0: i32, %arg1: i32, %arg2: memref<10240x128xf32, #tpu.memory_space<hbm>>, %arg3: memref<331776xi32, #tpu.memory_space<hbm>>, %arg4: memref<331776xi32, #tpu.memory_space<hbm>>, %arg5: memref<2x10240x128xf32, #tpu.memory_space<hbm>>, %arg6: memref<10368xi32, #tpu.memory_space<vmem>>, %arg7: memref<10368xi32, #tpu.memory_space<vmem>>, %arg8: memref<48x128xf32, #tpu.memory_space<vmem>>, %arg9: memref<48x128xf32, #tpu.memory_space<vmem>>, %arg10: memref<48x128xf32, #tpu.memory_space<vmem>>, %arg11: memref<48x128xf32, #tpu.memory_space<vmem>>, %arg12: memref<10240x128xf32, #tpu.memory_space<vmem_shared>>, %arg13: memref<!tpu.dma_semaphore, #tpu.memory_space<semaphore_mem>>, %arg14: memref<!tpu.dma_semaphore, #tpu.memory_space<semaphore_mem>>, %arg15: memref<!tpu.dma_semaphore, #tpu.memory_space<semaphore_mem>>, %arg16: memref<!tpu.dma_semaphore, #tpu.memory_space<semaphore_mem>>, %arg17: memref<!tpu.dma_semaphore, #tpu.memory_space<semaphore_mem>>, %arg18: memref<!tpu.dma_semaphore, #tpu.memory_space<semaphore_mem>>, %arg19: memref<!tpu.dma_semaphore, #tpu.memory_space<semaphore_mem>>, %arg20: memref<!tpu.dma_semaphore, #tpu.memory_space<semaphore_mem>>) attributes {dimension_semantics = [#tpu.dimension_semantics<core_parallel>, #tpu.dimension_semantics<subcore_parallel>], iteration_bounds = array<i64: 2, 16>, scalar_prefetch = 0 : i64, scratch_operands = 15 : i64, tpu.core_type = #tpu.core_type<sc_vector_subcore>, window_params = [{transform_indices = #map}, {transform_indices = #map1}, {transform_indices = #map1}, {transform_indices = #map2}]} {
    %mul3A = arith.constant 16 : i32
    %mul3A_0 = arith.muli %arg0, %mul3A : i32
    %add3A = arith.addi %mul3A_0, %arg1 : i32
    %mul3A_1 = arith.constant 10368 : i32
    %mul3A_2 = arith.muli %add3A, %mul3A_1 : i32
    "tpu.region"() ({
      %run_scoped3A = tpu.sem_alloc : memref<!tpu.dma_semaphore, #tpu.memory_space<semaphore_mem>>
      %dma_start3A_91 = tpu.memref_slice %arg3[%mul3A_2] : memref<331776xi32, #tpu.memory_space<hbm>> -> memref<10368xi32, #tpu.memory_space<hbm>>
      %dma_start3A_92 = tpu.memref_slice %arg3[%mul3A_2] : memref<331776xi32, #tpu.memory_space<hbm>> -> memref<10368xi32, #tpu.memory_space<hbm>>
      tpu.enqueue_dma source(%dma_start3A_92 : memref<10368xi32, #tpu.memory_space<hbm>>) target(%arg6 : memref<10368xi32, #tpu.memory_space<vmem>>) target_semaphore(%run_scoped3A : memref<!tpu.dma_semaphore, #tpu.memory_space<semaphore_mem>>)
      %dma_wait3A_93 = tpu.memref_slice %arg3[%mul3A_2] : memref<331776xi32, #tpu.memory_space<hbm>> -> memref<10368xi32, #tpu.memory_space<hbm>>
      %dma_wait3A_94 = tpu.memref_slice %arg3[%mul3A_2] : memref<331776xi32, #tpu.memory_space<hbm>> -> memref<10368xi32, #tpu.memory_space<hbm>>
      tpu.wait_dma2 semaphore(%run_scoped3A : memref<!tpu.dma_semaphore, #tpu.memory_space<semaphore_mem>>) src(%dma_wait3A_94 : memref<10368xi32, #tpu.memory_space<hbm>>) dst(%arg6 : memref<10368xi32, #tpu.memory_space<vmem>>)
      tpu.yield
    }) : () -> ()
    %mul3A_3 = arith.constant 10368 : i32
    %mul3A_4 = arith.muli %add3A, %mul3A_3 : i32
    "tpu.region"() ({
      %run_scoped3A = tpu.sem_alloc : memref<!tpu.dma_semaphore, #tpu.memory_space<semaphore_mem>>
      %dma_start3A_91 = tpu.memref_slice %arg4[%mul3A_4] : memref<331776xi32, #tpu.memory_space<hbm>> -> memref<10368xi32, #tpu.memory_space<hbm>>
      %dma_start3A_92 = tpu.memref_slice %arg4[%mul3A_4] : memref<331776xi32, #tpu.memory_space<hbm>> -> memref<10368xi32, #tpu.memory_space<hbm>>
      tpu.enqueue_dma source(%dma_start3A_92 : memref<10368xi32, #tpu.memory_space<hbm>>) target(%arg7 : memref<10368xi32, #tpu.memory_space<vmem>>) target_semaphore(%run_scoped3A : memref<!tpu.dma_semaphore, #tpu.memory_space<semaphore_mem>>)
      %dma_wait3A_93 = tpu.memref_slice %arg4[%mul3A_4] : memref<331776xi32, #tpu.memory_space<hbm>> -> memref<10368xi32, #tpu.memory_space<hbm>>
      %dma_wait3A_94 = tpu.memref_slice %arg4[%mul3A_4] : memref<331776xi32, #tpu.memory_space<hbm>> -> memref<10368xi32, #tpu.memory_space<hbm>>
      tpu.wait_dma2 semaphore(%run_scoped3A : memref<!tpu.dma_semaphore, #tpu.memory_space<semaphore_mem>>) src(%dma_wait3A_94 : memref<10368xi32, #tpu.memory_space<hbm>>) dst(%arg7 : memref<10368xi32, #tpu.memory_space<vmem>>)
      tpu.yield
    }) : () -> ()
    %mul3A_5 = arith.constant 640 : i32
    %mul3A_6 = arith.muli %arg1, %mul3A_5 : i32
    "tpu.region"() ({
      %run_scoped3A = tpu.sem_alloc : memref<!tpu.dma_semaphore, #tpu.memory_space<semaphore_mem>>
      %dma_start3A_91 = arith.constant 0 : i32
      %dma_start3A_92 = tpu.memref_slice %arg12[%mul3A_6, %dma_start3A_91] : memref<10240x128xf32, #tpu.memory_space<vmem_shared>> -> memref<640x128xf32, #tpu.memory_space<vmem_shared>>
      %dma_start3A_93 = arith.constant 0 : i32
      %dma_start3A_94 = tpu.memref_slice %arg2[%mul3A_6, %dma_start3A_93] : memref<10240x128xf32, #tpu.memory_space<hbm>> -> memref<640x128xf32, #tpu.memory_space<hbm>>
      tpu.enqueue_dma source(%dma_start3A_94 : memref<640x128xf32, #tpu.memory_space<hbm>>) target(%dma_start3A_92 : memref<640x128xf32, #tpu.memory_space<vmem_shared>>) target_semaphore(%run_scoped3A : memref<!tpu.dma_semaphore, #tpu.memory_space<semaphore_mem>>)
      %dma_wait3A_95 = arith.constant 0 : i32
      %dma_wait3A_96 = tpu.memref_slice %arg12[%mul3A_6, %dma_wait3A_95] : memref<10240x128xf32, #tpu.memory_space<vmem_shared>> -> memref<640x128xf32, #tpu.memory_space<vmem_shared>>
      %dma_wait3A_97 = arith.constant 0 : i32
      %dma_wait3A_98 = tpu.memref_slice %arg2[%mul3A_6, %dma_wait3A_97] : memref<10240x128xf32, #tpu.memory_space<hbm>> -> memref<640x128xf32, #tpu.memory_space<hbm>>
      tpu.wait_dma2 semaphore(%run_scoped3A : memref<!tpu.dma_semaphore, #tpu.memory_space<semaphore_mem>>) src(%dma_wait3A_98 : memref<640x128xf32, #tpu.memory_space<hbm>>) dst(%dma_wait3A_96 : memref<640x128xf32, #tpu.memory_space<vmem_shared>>)
      tpu.yield
    }) : () -> ()
    %barrier3A = arith.constant 0 : index
    tpu.barrier barrier_id(%barrier3A)
    %dma_start3A = arith.constant 0 : i32
    %dma_start3A_7 = tpu.memref_slice %arg6[%dma_start3A] : memref<10368xi32, #tpu.memory_space<vmem>> -> memref<48xi32, #tpu.memory_space<vmem>>
    %dma_start3A_8 = arith.constant 0 : i32
    %dma_start3A_9 = arith.constant 0 : i32
    %dma_start3A_10 = tpu.memref_slice %arg2[%dma_start3A_8, %dma_start3A_9] : memref<10240x128xf32, #tpu.memory_space<hbm>> -> memref<10240x128xf32, #tpu.memory_space<hbm>>
    tpu.enqueue_indirect_dma source(%dma_start3A_10 : memref<10240x128xf32, #tpu.memory_space<hbm>>) target(%arg8 : memref<48x128xf32, #tpu.memory_space<vmem>>) offsets(%dma_start3A_7 : memref<48xi32, #tpu.memory_space<vmem>>) semaphore(%arg13 : memref<!tpu.dma_semaphore, #tpu.memory_space<semaphore_mem>>)
    %dma_start3A_11 = arith.constant 48 : i32
    %dma_start3A_12 = tpu.memref_slice %arg6[%dma_start3A_11] : memref<10368xi32, #tpu.memory_space<vmem>> -> memref<48xi32, #tpu.memory_space<vmem>>
    %dma_start3A_13 = arith.constant 0 : i32
    %dma_start3A_14 = arith.constant 0 : i32
    %dma_start3A_15 = tpu.memref_slice %arg2[%dma_start3A_13, %dma_start3A_14] : memref<10240x128xf32, #tpu.memory_space<hbm>> -> memref<10240x128xf32, #tpu.memory_space<hbm>>
    tpu.enqueue_indirect_dma source(%dma_start3A_15 : memref<10240x128xf32, #tpu.memory_space<hbm>>) target(%arg9 : memref<48x128xf32, #tpu.memory_space<vmem>>) offsets(%dma_start3A_12 : memref<48xi32, #tpu.memory_space<vmem>>) semaphore(%arg14 : memref<!tpu.dma_semaphore, #tpu.memory_space<semaphore_mem>>)
    %dma_start3A_16 = arith.constant 96 : i32
    %dma_start3A_17 = tpu.memref_slice %arg6[%dma_start3A_16] : memref<10368xi32, #tpu.memory_space<vmem>> -> memref<48xi32, #tpu.memory_space<vmem>>
    %dma_start3A_18 = arith.constant 0 : i32
    %dma_start3A_19 = arith.constant 0 : i32
    %dma_start3A_20 = tpu.memref_slice %arg2[%dma_start3A_18, %dma_start3A_19] : memref<10240x128xf32, #tpu.memory_space<hbm>> -> memref<10240x128xf32, #tpu.memory_space<hbm>>
    tpu.enqueue_indirect_dma source(%dma_start3A_20 : memref<10240x128xf32, #tpu.memory_space<hbm>>) target(%arg10 : memref<48x128xf32, #tpu.memory_space<vmem>>) offsets(%dma_start3A_17 : memref<48xi32, #tpu.memory_space<vmem>>) semaphore(%arg15 : memref<!tpu.dma_semaphore, #tpu.memory_space<semaphore_mem>>)
    %dma_wait3A = arith.constant 0 : i32
    %dma_wait3A_21 = tpu.memref_slice %arg6[%dma_wait3A] : memref<10368xi32, #tpu.memory_space<vmem>> -> memref<48xi32, #tpu.memory_space<vmem>>
    %dma_wait3A_22 = arith.constant 0 : i32
    %dma_wait3A_23 = arith.constant 0 : i32
    %dma_wait3A_24 = tpu.memref_slice %arg2[%dma_wait3A_22, %dma_wait3A_23] : memref<10240x128xf32, #tpu.memory_space<hbm>> -> memref<10240x128xf32, #tpu.memory_space<hbm>>
    tpu.wait_indirect_dma semaphore(%arg13 : memref<!tpu.dma_semaphore, #tpu.memory_space<semaphore_mem>>) src(%dma_wait3A_24 : memref<10240x128xf32, #tpu.memory_space<hbm>>) dst(%arg8 : memref<48x128xf32, #tpu.memory_space<vmem>>)
    %dma_start3A_25 = arith.constant 0 : i32
    %dma_start3A_26 = tpu.memref_slice %arg7[%dma_start3A_25] : memref<10368xi32, #tpu.memory_space<vmem>> -> memref<48xi32, #tpu.memory_space<vmem>>
    %dma_start3A_27 = arith.constant 0 : i32
    %dma_start3A_28 = arith.constant 0 : i32
    %dma_start3A_29 = tpu.memref_slice %arg12[%dma_start3A_27, %dma_start3A_28] : memref<10240x128xf32, #tpu.memory_space<vmem_shared>> -> memref<10240x128xf32, #tpu.memory_space<vmem_shared>>
    tpu.enqueue_indirect_dma source(%arg8 : memref<48x128xf32, #tpu.memory_space<vmem>>) target(%dma_start3A_29 : memref<10240x128xf32, #tpu.memory_space<vmem_shared>>) offsets(%dma_start3A_26 : memref<48xi32, #tpu.memory_space<vmem>>) semaphore(%arg17 : memref<!tpu.dma_semaphore, #tpu.memory_space<semaphore_mem>>) {add = true}
    %dma_start3A_30 = arith.constant 144 : i32
    %dma_start3A_31 = tpu.memref_slice %arg6[%dma_start3A_30] : memref<10368xi32, #tpu.memory_space<vmem>> -> memref<48xi32, #tpu.memory_space<vmem>>
    %dma_start3A_32 = arith.constant 0 : i32
    %dma_start3A_33 = arith.constant 0 : i32
    %dma_start3A_34 = tpu.memref_slice %arg2[%dma_start3A_32, %dma_start3A_33] : memref<10240x128xf32, #tpu.memory_space<hbm>> -> memref<10240x128xf32, #tpu.memory_space<hbm>>
    tpu.enqueue_indirect_dma source(%dma_start3A_34 : memref<10240x128xf32, #tpu.memory_space<hbm>>) target(%arg11 : memref<48x128xf32, #tpu.memory_space<vmem>>) offsets(%dma_start3A_31 : memref<48xi32, #tpu.memory_space<vmem>>) semaphore(%arg16 : memref<!tpu.dma_semaphore, #tpu.memory_space<semaphore_mem>>)
    %scan3A = arith.constant 0 : i32
    %scan3A_35 = arith.constant 0 : i32
    %scan3A_36 = arith.constant 53 : i32
    %scan3A_37 = arith.addi %scan3A_35, %scan3A_36 : i32
    %scan3A_38 = arith.constant 1 : i32
    scf.for %scan3A_91 = %scan3A_35 to %scan3A_37 step %scan3A_38  : i32 {
      %mul3A_92 = arith.constant 4 : i32
      %mul3A_93 = arith.muli %mul3A_92, %scan3A_91 : i32
      %add3A_94 = arith.constant 1 : i32
      %add3A_95 = arith.addi %mul3A_93, %add3A_94 : i32
      %add3A_96 = arith.constant 0 : i32
      %add3A_97 = arith.addi %add3A_95, %add3A_96 : i32
      %mul3A_98 = arith.constant 48 : i32
      %mul3A_99 = arith.muli %add3A_97, %mul3A_98 : i32
      %dma_wait3A_100 = tpu.memref_slice %arg6[%mul3A_99] : memref<10368xi32, #tpu.memory_space<vmem>> -> memref<48xi32, #tpu.memory_space<vmem>>
      %dma_wait3A_101 = arith.constant 0 : i32
      %dma_wait3A_102 = arith.constant 0 : i32
      %dma_wait3A_103 = tpu.memref_slice %arg2[%dma_wait3A_101, %dma_wait3A_102] : memref<10240x128xf32, #tpu.memory_space<hbm>> -> memref<10240x128xf32, #tpu.memory_space<hbm>>
      tpu.wait_indirect_dma semaphore(%arg14 : memref<!tpu.dma_semaphore, #tpu.memory_space<semaphore_mem>>) src(%dma_wait3A_103 : memref<10240x128xf32, #tpu.memory_space<hbm>>) dst(%arg9 : memref<48x128xf32, #tpu.memory_space<vmem>>)
      %mul3A_104 = arith.constant 48 : i32
      %mul3A_105 = arith.muli %add3A_97, %mul3A_104 : i32
      %dma_start3A_106 = tpu.memref_slice %arg7[%mul3A_105] : memref<10368xi32, #tpu.memory_space<vmem>> -> memref<48xi32, #tpu.memory_space<vmem>>
      %dma_start3A_107 = arith.constant 0 : i32
      %dma_start3A_108 = arith.constant 0 : i32
      %dma_start3A_109 = tpu.memref_slice %arg12[%dma_start3A_107, %dma_start3A_108] : memref<10240x128xf32, #tpu.memory_space<vmem_shared>> -> memref<10240x128xf32, #tpu.memory_space<vmem_shared>>
      tpu.enqueue_indirect_dma source(%arg9 : memref<48x128xf32, #tpu.memory_space<vmem>>) target(%dma_start3A_109 : memref<10240x128xf32, #tpu.memory_space<vmem_shared>>) offsets(%dma_start3A_106 : memref<48xi32, #tpu.memory_space<vmem>>) semaphore(%arg18 : memref<!tpu.dma_semaphore, #tpu.memory_space<semaphore_mem>>) {add = true}
      %sub3A = arith.constant 1 : i32
      %sub3A_110 = arith.subi %add3A_97, %sub3A : i32
      %mul3A_111 = arith.constant 48 : i32
      %mul3A_112 = arith.muli %sub3A_110, %mul3A_111 : i32
      %dma_wait3A_113 = tpu.memref_slice %arg7[%mul3A_112] : memref<10368xi32, #tpu.memory_space<vmem>> -> memref<48xi32, #tpu.memory_space<vmem>>
      %dma_wait3A_114 = arith.constant 0 : i32
      %dma_wait3A_115 = arith.constant 0 : i32
      %dma_wait3A_116 = tpu.memref_slice %arg12[%dma_wait3A_114, %dma_wait3A_115] : memref<10240x128xf32, #tpu.memory_space<vmem_shared>> -> memref<10240x128xf32, #tpu.memory_space<vmem_shared>>
      tpu.wait_indirect_dma semaphore(%arg17 : memref<!tpu.dma_semaphore, #tpu.memory_space<semaphore_mem>>) src(%arg8 : memref<48x128xf32, #tpu.memory_space<vmem>>) dst(%dma_wait3A_116 : memref<10240x128xf32, #tpu.memory_space<vmem_shared>>)
      %add3A_117 = arith.constant 4 : i32
      %add3A_118 = arith.addi %add3A_97, %add3A_117 : i32
      %sub3A_119 = arith.constant 1 : i32
      %sub3A_120 = arith.subi %add3A_118, %sub3A_119 : i32
      %mul3A_121 = arith.constant 48 : i32
      %mul3A_122 = arith.muli %sub3A_120, %mul3A_121 : i32
      %dma_start3A_123 = tpu.memref_slice %arg6[%mul3A_122] : memref<10368xi32, #tpu.memory_space<vmem>> -> memref<48xi32, #tpu.memory_space<vmem>>
      %dma_start3A_124 = arith.constant 0 : i32
      %dma_start3A_125 = arith.constant 0 : i32
      %dma_start3A_126 = tpu.memref_slice %arg2[%dma_start3A_124, %dma_start3A_125] : memref<10240x128xf32, #tpu.memory_space<hbm>> -> memref<10240x128xf32, #tpu.memory_space<hbm>>
      tpu.enqueue_indirect_dma source(%dma_start3A_126 : memref<10240x128xf32, #tpu.memory_space<hbm>>) target(%arg8 : memref<48x128xf32, #tpu.memory_space<vmem>>) offsets(%dma_start3A_123 : memref<48xi32, #tpu.memory_space<vmem>>) semaphore(%arg13 : memref<!tpu.dma_semaphore, #tpu.memory_space<semaphore_mem>>)
      %mul3A_127 = arith.constant 4 : i32
      %mul3A_128 = arith.muli %mul3A_127, %scan3A_91 : i32
      %add3A_129 = arith.constant 1 : i32
      %add3A_130 = arith.addi %mul3A_128, %add3A_129 : i32
      %add3A_131 = arith.constant 1 : i32
      %add3A_132 = arith.addi %add3A_130, %add3A_131 : i32
      %mul3A_133 = arith.constant 48 : i32
      %mul3A_134 = arith.muli %add3A_132, %mul3A_133 : i32
      %dma_wait3A_135 = tpu.memref_slice %arg6[%mul3A_134] : memref<10368xi32, #tpu.memory_space<vmem>> -> memref<48xi32, #tpu.memory_space<vmem>>
      %dma_wait3A_136 = arith.constant 0 : i32
      %dma_wait3A_137 = arith.constant 0 : i32
      %dma_wait3A_138 = tpu.memref_slice %arg2[%dma_wait3A_136, %dma_wait3A_137] : memref<10240x128xf32, #tpu.memory_space<hbm>> -> memref<10240x128xf32, #tpu.memory_space<hbm>>
      tpu.wait_indirect_dma semaphore(%arg15 : memref<!tpu.dma_semaphore, #tpu.memory_space<semaphore_mem>>) src(%dma_wait3A_138 : memref<10240x128xf32, #tpu.memory_space<hbm>>) dst(%arg10 : memref<48x128xf32, #tpu.memory_space<vmem>>)
      %mul3A_139 = arith.constant 48 : i32
      %mul3A_140 = arith.muli %add3A_132, %mul3A_139 : i32
      %dma_start3A_141 = tpu.memref_slice %arg7[%mul3A_140] : memref<10368xi32, #tpu.memory_space<vmem>> -> memref<48xi32, #tpu.memory_space<vmem>>
      %dma_start3A_142 = arith.constant 0 : i32
      %dma_start3A_143 = arith.constant 0 : i32
      %dma_start3A_144 = tpu.memref_slice %arg12[%dma_start3A_142, %dma_start3A_143] : memref<10240x128xf32, #tpu.memory_space<vmem_shared>> -> memref<10240x128xf32, #tpu.memory_space<vmem_shared>>
      tpu.enqueue_indirect_dma source(%arg10 : memref<48x128xf32, #tpu.memory_space<vmem>>) target(%dma_start3A_144 : memref<10240x128xf32, #tpu.memory_space<vmem_shared>>) offsets(%dma_start3A_141 : memref<48xi32, #tpu.memory_space<vmem>>) semaphore(%arg19 : memref<!tpu.dma_semaphore, #tpu.memory_space<semaphore_mem>>) {add = true}
      %sub3A_145 = arith.constant 1 : i32
      %sub3A_146 = arith.subi %add3A_132, %sub3A_145 : i32
      %mul3A_147 = arith.constant 48 : i32
      %mul3A_148 = arith.muli %sub3A_146, %mul3A_147 : i32
      %dma_wait3A_149 = tpu.memref_slice %arg7[%mul3A_148] : memref<10368xi32, #tpu.memory_space<vmem>> -> memref<48xi32, #tpu.memory_space<vmem>>
      %dma_wait3A_150 = arith.constant 0 : i32
      %dma_wait3A_151 = arith.constant 0 : i32
      %dma_wait3A_152 = tpu.memref_slice %arg12[%dma_wait3A_150, %dma_wait3A_151] : memref<10240x128xf32, #tpu.memory_space<vmem_shared>> -> memref<10240x128xf32, #tpu.memory_space<vmem_shared>>
      tpu.wait_indirect_dma semaphore(%arg18 : memref<!tpu.dma_semaphore, #tpu.memory_space<semaphore_mem>>) src(%arg9 : memref<48x128xf32, #tpu.memory_space<vmem>>) dst(%dma_wait3A_152 : memref<10240x128xf32, #tpu.memory_space<vmem_shared>>)
      %add3A_153 = arith.constant 4 : i32
      %add3A_154 = arith.addi %add3A_132, %add3A_153 : i32
      %sub3A_155 = arith.constant 1 : i32
      %sub3A_156 = arith.subi %add3A_154, %sub3A_155 : i32
      %mul3A_157 = arith.constant 48 : i32
      %mul3A_158 = arith.muli %sub3A_156, %mul3A_157 : i32
      %dma_start3A_159 = tpu.memref_slice %arg6[%mul3A_158] : memref<10368xi32, #tpu.memory_space<vmem>> -> memref<48xi32, #tpu.memory_space<vmem>>
      %dma_start3A_160 = arith.constant 0 : i32
      %dma_start3A_161 = arith.constant 0 : i32
      %dma_start3A_162 = tpu.memref_slice %arg2[%dma_start3A_160, %dma_start3A_161] : memref<10240x128xf32, #tpu.memory_space<hbm>> -> memref<10240x128xf32, #tpu.memory_space<hbm>>
      tpu.enqueue_indirect_dma source(%dma_start3A_162 : memref<10240x128xf32, #tpu.memory_space<hbm>>) target(%arg9 : memref<48x128xf32, #tpu.memory_space<vmem>>) offsets(%dma_start3A_159 : memref<48xi32, #tpu.memory_space<vmem>>) semaphore(%arg14 : memref<!tpu.dma_semaphore, #tpu.memory_space<semaphore_mem>>)
      %mul3A_163 = arith.constant 4 : i32
      %mul3A_164 = arith.muli %mul3A_163, %scan3A_91 : i32
      %add3A_165 = arith.constant 1 : i32
      %add3A_166 = arith.addi %mul3A_164, %add3A_165 : i32
      %add3A_167 = arith.constant 2 : i32
      %add3A_168 = arith.addi %add3A_166, %add3A_167 : i32
      %mul3A_169 = arith.constant 48 : i32
      %mul3A_170 = arith.muli %add3A_168, %mul3A_169 : i32
      %dma_wait3A_171 = tpu.memref_slice %arg6[%mul3A_170] : memref<10368xi32, #tpu.memory_space<vmem>> -> memref<48xi32, #tpu.memory_space<vmem>>
      %dma_wait3A_172 = arith.constant 0 : i32
      %dma_wait3A_173 = arith.constant 0 : i32
      %dma_wait3A_174 = tpu.memref_slice %arg2[%dma_wait3A_172, %dma_wait3A_173] : memref<10240x128xf32, #tpu.memory_space<hbm>> -> memref<10240x128xf32, #tpu.memory_space<hbm>>
      tpu.wait_indirect_dma semaphore(%arg16 : memref<!tpu.dma_semaphore, #tpu.memory_space<semaphore_mem>>) src(%dma_wait3A_174 : memref<10240x128xf32, #tpu.memory_space<hbm>>) dst(%arg11 : memref<48x128xf32, #tpu.memory_space<vmem>>)
      %mul3A_175 = arith.constant 48 : i32
      %mul3A_176 = arith.muli %add3A_168, %mul3A_175 : i32
      %dma_start3A_177 = tpu.memref_slice %arg7[%mul3A_176] : memref<10368xi32, #tpu.memory_space<vmem>> -> memref<48xi32, #tpu.memory_space<vmem>>
      %dma_start3A_178 = arith.constant 0 : i32
      %dma_start3A_179 = arith.constant 0 : i32
      %dma_start3A_180 = tpu.memref_slice %arg12[%dma_start3A_178, %dma_start3A_179] : memref<10240x128xf32, #tpu.memory_space<vmem_shared>> -> memref<10240x128xf32, #tpu.memory_space<vmem_shared>>
      tpu.enqueue_indirect_dma source(%arg11 : memref<48x128xf32, #tpu.memory_space<vmem>>) target(%dma_start3A_180 : memref<10240x128xf32, #tpu.memory_space<vmem_shared>>) offsets(%dma_start3A_177 : memref<48xi32, #tpu.memory_space<vmem>>) semaphore(%arg20 : memref<!tpu.dma_semaphore, #tpu.memory_space<semaphore_mem>>) {add = true}
      %sub3A_181 = arith.constant 1 : i32
      %sub3A_182 = arith.subi %add3A_168, %sub3A_181 : i32
      %mul3A_183 = arith.constant 48 : i32
      %mul3A_184 = arith.muli %sub3A_182, %mul3A_183 : i32
      %dma_wait3A_185 = tpu.memref_slice %arg7[%mul3A_184] : memref<10368xi32, #tpu.memory_space<vmem>> -> memref<48xi32, #tpu.memory_space<vmem>>
      %dma_wait3A_186 = arith.constant 0 : i32
      %dma_wait3A_187 = arith.constant 0 : i32
      %dma_wait3A_188 = tpu.memref_slice %arg12[%dma_wait3A_186, %dma_wait3A_187] : memref<10240x128xf32, #tpu.memory_space<vmem_shared>> -> memref<10240x128xf32, #tpu.memory_space<vmem_shared>>
      tpu.wait_indirect_dma semaphore(%arg19 : memref<!tpu.dma_semaphore, #tpu.memory_space<semaphore_mem>>) src(%arg10 : memref<48x128xf32, #tpu.memory_space<vmem>>) dst(%dma_wait3A_188 : memref<10240x128xf32, #tpu.memory_space<vmem_shared>>)
      %add3A_189 = arith.constant 4 : i32
      %add3A_190 = arith.addi %add3A_168, %add3A_189 : i32
      %sub3A_191 = arith.constant 1 : i32
      %sub3A_192 = arith.subi %add3A_190, %sub3A_191 : i32
      %mul3A_193 = arith.constant 48 : i32
      %mul3A_194 = arith.muli %sub3A_192, %mul3A_193 : i32
      %dma_start3A_195 = tpu.memref_slice %arg6[%mul3A_194] : memref<10368xi32, #tpu.memory_space<vmem>> -> memref<48xi32, #tpu.memory_space<vmem>>
      %dma_start3A_196 = arith.constant 0 : i32
      %dma_start3A_197 = arith.constant 0 : i32
      %dma_start3A_198 = tpu.memref_slice %arg2[%dma_start3A_196, %dma_start3A_197] : memref<10240x128xf32, #tpu.memory_space<hbm>> -> memref<10240x128xf32, #tpu.memory_space<hbm>>
      tpu.enqueue_indirect_dma source(%dma_start3A_198 : memref<10240x128xf32, #tpu.memory_space<hbm>>) target(%arg10 : memref<48x128xf32, #tpu.memory_space<vmem>>) offsets(%dma_start3A_195 : memref<48xi32, #tpu.memory_space<vmem>>) semaphore(%arg15 : memref<!tpu.dma_semaphore, #tpu.memory_space<semaphore_mem>>)
      %mul3A_199 = arith.constant 4 : i32
      %mul3A_200 = arith.muli %mul3A_199, %scan3A_91 : i32
      %add3A_201 = arith.constant 1 : i32
      %add3A_202 = arith.addi %mul3A_200, %add3A_201 : i32
      %add3A_203 = arith.constant 3 : i32
      %add3A_204 = arith.addi %add3A_202, %add3A_203 : i32
      %mul3A_205 = arith.constant 48 : i32
      %mul3A_206 = arith.muli %add3A_204, %mul3A_205 : i32
      %dma_wait3A_207 = tpu.memref_slice %arg6[%mul3A_206] : memref<10368xi32, #tpu.memory_space<vmem>> -> memref<48xi32, #tpu.memory_space<vmem>>
      %dma_wait3A_208 = arith.constant 0 : i32
      %dma_wait3A_209 = arith.constant 0 : i32
      %dma_wait3A_210 = tpu.memref_slice %arg2[%dma_wait3A_208, %dma_wait3A_209] : memref<10240x128xf32, #tpu.memory_space<hbm>> -> memref<10240x128xf32, #tpu.memory_space<hbm>>
      tpu.wait_indirect_dma semaphore(%arg13 : memref<!tpu.dma_semaphore, #tpu.memory_space<semaphore_mem>>) src(%dma_wait3A_210 : memref<10240x128xf32, #tpu.memory_space<hbm>>) dst(%arg8 : memref<48x128xf32, #tpu.memory_space<vmem>>)
      %mul3A_211 = arith.constant 48 : i32
      %mul3A_212 = arith.muli %add3A_204, %mul3A_211 : i32
      %dma_start3A_213 = tpu.memref_slice %arg7[%mul3A_212] : memref<10368xi32, #tpu.memory_space<vmem>> -> memref<48xi32, #tpu.memory_space<vmem>>
      %dma_start3A_214 = arith.constant 0 : i32
      %dma_start3A_215 = arith.constant 0 : i32
      %dma_start3A_216 = tpu.memref_slice %arg12[%dma_start3A_214, %dma_start3A_215] : memref<10240x128xf32, #tpu.memory_space<vmem_shared>> -> memref<10240x128xf32, #tpu.memory_space<vmem_shared>>
      tpu.enqueue_indirect_dma source(%arg8 : memref<48x128xf32, #tpu.memory_space<vmem>>) target(%dma_start3A_216 : memref<10240x128xf32, #tpu.memory_space<vmem_shared>>) offsets(%dma_start3A_213 : memref<48xi32, #tpu.memory_space<vmem>>) semaphore(%arg17 : memref<!tpu.dma_semaphore, #tpu.memory_space<semaphore_mem>>) {add = true}
      %sub3A_217 = arith.constant 1 : i32
      %sub3A_218 = arith.subi %add3A_204, %sub3A_217 : i32
      %mul3A_219 = arith.constant 48 : i32
      %mul3A_220 = arith.muli %sub3A_218, %mul3A_219 : i32
      %dma_wait3A_221 = tpu.memref_slice %arg7[%mul3A_220] : memref<10368xi32, #tpu.memory_space<vmem>> -> memref<48xi32, #tpu.memory_space<vmem>>
      %dma_wait3A_222 = arith.constant 0 : i32
      %dma_wait3A_223 = arith.constant 0 : i32
      %dma_wait3A_224 = tpu.memref_slice %arg12[%dma_wait3A_222, %dma_wait3A_223] : memref<10240x128xf32, #tpu.memory_space<vmem_shared>> -> memref<10240x128xf32, #tpu.memory_space<vmem_shared>>
      tpu.wait_indirect_dma semaphore(%arg20 : memref<!tpu.dma_semaphore, #tpu.memory_space<semaphore_mem>>) src(%arg11 : memref<48x128xf32, #tpu.memory_space<vmem>>) dst(%dma_wait3A_224 : memref<10240x128xf32, #tpu.memory_space<vmem_shared>>)
      %add3A_225 = arith.constant 4 : i32
      %add3A_226 = arith.addi %add3A_204, %add3A_225 : i32
      %sub3A_227 = arith.constant 1 : i32
      %sub3A_228 = arith.subi %add3A_226, %sub3A_227 : i32
      %mul3A_229 = arith.constant 48 : i32
      %mul3A_230 = arith.muli %sub3A_228, %mul3A_229 : i32
      %dma_start3A_231 = tpu.memref_slice %arg6[%mul3A_230] : memref<10368xi32, #tpu.memory_space<vmem>> -> memref<48xi32, #tpu.memory_space<vmem>>
      %dma_start3A_232 = arith.constant 0 : i32
      %dma_start3A_233 = arith.constant 0 : i32
      %dma_start3A_234 = tpu.memref_slice %arg2[%dma_start3A_232, %dma_start3A_233] : memref<10240x128xf32, #tpu.memory_space<hbm>> -> memref<10240x128xf32, #tpu.memory_space<hbm>>
      tpu.enqueue_indirect_dma source(%dma_start3A_234 : memref<10240x128xf32, #tpu.memory_space<hbm>>) target(%arg11 : memref<48x128xf32, #tpu.memory_space<vmem>>) offsets(%dma_start3A_231 : memref<48xi32, #tpu.memory_space<vmem>>) semaphore(%arg16 : memref<!tpu.dma_semaphore, #tpu.memory_space<semaphore_mem>>)
    }
    %scan3A_39 = arith.constant 53 : i32
    %dma_wait3A_40 = arith.constant 10224 : i32
    %dma_wait3A_41 = tpu.memref_slice %arg6[%dma_wait3A_40] : memref<10368xi32, #tpu.memory_space<vmem>> -> memref<48xi32, #tpu.memory_space<vmem>>
    %dma_wait3A_42 = arith.constant 0 : i32
    %dma_wait3A_43 = arith.constant 0 : i32
    %dma_wait3A_44 = tpu.memref_slice %arg2[%dma_wait3A_42, %dma_wait3A_43] : memref<10240x128xf32, #tpu.memory_space<hbm>> -> memref<10240x128xf32, #tpu.memory_space<hbm>>
    tpu.wait_indirect_dma semaphore(%arg14 : memref<!tpu.dma_semaphore, #tpu.memory_space<semaphore_mem>>) src(%dma_wait3A_44 : memref<10240x128xf32, #tpu.memory_space<hbm>>) dst(%arg9 : memref<48x128xf32, #tpu.memory_space<vmem>>)
    %dma_start3A_45 = arith.constant 10224 : i32
    %dma_start3A_46 = tpu.memref_slice %arg7[%dma_start3A_45] : memref<10368xi32, #tpu.memory_space<vmem>> -> memref<48xi32, #tpu.memory_space<vmem>>
    %dma_start3A_47 = arith.constant 0 : i32
    %dma_start3A_48 = arith.constant 0 : i32
    %dma_start3A_49 = tpu.memref_slice %arg12[%dma_start3A_47, %dma_start3A_48] : memref<10240x128xf32, #tpu.memory_space<vmem_shared>> -> memref<10240x128xf32, #tpu.memory_space<vmem_shared>>
    tpu.enqueue_indirect_dma source(%arg9 : memref<48x128xf32, #tpu.memory_space<vmem>>) target(%dma_start3A_49 : memref<10240x128xf32, #tpu.memory_space<vmem_shared>>) offsets(%dma_start3A_46 : memref<48xi32, #tpu.memory_space<vmem>>) semaphore(%arg18 : memref<!tpu.dma_semaphore, #tpu.memory_space<semaphore_mem>>) {add = true}
    %dma_wait3A_50 = arith.constant 10272 : i32
    %dma_wait3A_51 = tpu.memref_slice %arg6[%dma_wait3A_50] : memref<10368xi32, #tpu.memory_space<vmem>> -> memref<48xi32, #tpu.memory_space<vmem>>
    %dma_wait3A_52 = arith.constant 0 : i32
    %dma_wait3A_53 = arith.constant 0 : i32
    %dma_wait3A_54 = tpu.memref_slice %arg2[%dma_wait3A_52, %dma_wait3A_53] : memref<10240x128xf32, #tpu.memory_space<hbm>> -> memref<10240x128xf32, #tpu.memory_space<hbm>>
    tpu.wait_indirect_dma semaphore(%arg15 : memref<!tpu.dma_semaphore, #tpu.memory_space<semaphore_mem>>) src(%dma_wait3A_54 : memref<10240x128xf32, #tpu.memory_space<hbm>>) dst(%arg10 : memref<48x128xf32, #tpu.memory_space<vmem>>)
    %dma_start3A_55 = arith.constant 10272 : i32
    %dma_start3A_56 = tpu.memref_slice %arg7[%dma_start3A_55] : memref<10368xi32, #tpu.memory_space<vmem>> -> memref<48xi32, #tpu.memory_space<vmem>>
    %dma_start3A_57 = arith.constant 0 : i32
    %dma_start3A_58 = arith.constant 0 : i32
    %dma_start3A_59 = tpu.memref_slice %arg12[%dma_start3A_57, %dma_start3A_58] : memref<10240x128xf32, #tpu.memory_space<vmem_shared>> -> memref<10240x128xf32, #tpu.memory_space<vmem_shared>>
    tpu.enqueue_indirect_dma source(%arg10 : memref<48x128xf32, #tpu.memory_space<vmem>>) target(%dma_start3A_59 : memref<10240x128xf32, #tpu.memory_space<vmem_shared>>) offsets(%dma_start3A_56 : memref<48xi32, #tpu.memory_space<vmem>>) semaphore(%arg19 : memref<!tpu.dma_semaphore, #tpu.memory_space<semaphore_mem>>) {add = true}
    %dma_wait3A_60 = arith.constant 10320 : i32
    %dma_wait3A_61 = tpu.memref_slice %arg6[%dma_wait3A_60] : memref<10368xi32, #tpu.memory_space<vmem>> -> memref<48xi32, #tpu.memory_space<vmem>>
    %dma_wait3A_62 = arith.constant 0 : i32
    %dma_wait3A_63 = arith.constant 0 : i32
    %dma_wait3A_64 = tpu.memref_slice %arg2[%dma_wait3A_62, %dma_wait3A_63] : memref<10240x128xf32, #tpu.memory_space<hbm>> -> memref<10240x128xf32, #tpu.memory_space<hbm>>
    tpu.wait_indirect_dma semaphore(%arg16 : memref<!tpu.dma_semaphore, #tpu.memory_space<semaphore_mem>>) src(%dma_wait3A_64 : memref<10240x128xf32, #tpu.memory_space<hbm>>) dst(%arg11 : memref<48x128xf32, #tpu.memory_space<vmem>>)
    %dma_start3A_65 = arith.constant 10320 : i32
    %dma_start3A_66 = tpu.memref_slice %arg7[%dma_start3A_65] : memref<10368xi32, #tpu.memory_space<vmem>> -> memref<48xi32, #tpu.memory_space<vmem>>
    %dma_start3A_67 = arith.constant 0 : i32
    %dma_start3A_68 = arith.constant 0 : i32
    %dma_start3A_69 = tpu.memref_slice %arg12[%dma_start3A_67, %dma_start3A_68] : memref<10240x128xf32, #tpu.memory_space<vmem_shared>> -> memref<10240x128xf32, #tpu.memory_space<vmem_shared>>
    tpu.enqueue_indirect_dma source(%arg11 : memref<48x128xf32, #tpu.memory_space<vmem>>) target(%dma_start3A_69 : memref<10240x128xf32, #tpu.memory_space<vmem_shared>>) offsets(%dma_start3A_66 : memref<48xi32, #tpu.memory_space<vmem>>) semaphore(%arg20 : memref<!tpu.dma_semaphore, #tpu.memory_space<semaphore_mem>>) {add = true}
    %dma_wait3A_70 = arith.constant 10176 : i32
    %dma_wait3A_71 = tpu.memref_slice %arg7[%dma_wait3A_70] : memref<10368xi32, #tpu.memory_space<vmem>> -> memref<48xi32, #tpu.memory_space<vmem>>
    %dma_wait3A_72 = arith.constant 0 : i32
    %dma_wait3A_73 = arith.constant 0 : i32
    %dma_wait3A_74 = tpu.memref_slice %arg12[%dma_wait3A_72, %dma_wait3A_73] : memref<10240x128xf32, #tpu.memory_space<vmem_shared>> -> memref<10240x128xf32, #tpu.memory_space<vmem_shared>>
    tpu.wait_indirect_dma semaphore(%arg17 : memref<!tpu.dma_semaphore, #tpu.memory_space<semaphore_mem>>) src(%arg8 : memref<48x128xf32, #tpu.memory_space<vmem>>) dst(%dma_wait3A_74 : memref<10240x128xf32, #tpu.memory_space<vmem_shared>>)
    %dma_wait3A_75 = arith.constant 10224 : i32
    %dma_wait3A_76 = tpu.memref_slice %arg7[%dma_wait3A_75] : memref<10368xi32, #tpu.memory_space<vmem>> -> memref<48xi32, #tpu.memory_space<vmem>>
    %dma_wait3A_77 = arith.constant 0 : i32
    %dma_wait3A_78 = arith.constant 0 : i32
    %dma_wait3A_79 = tpu.memref_slice %arg12[%dma_wait3A_77, %dma_wait3A_78] : memref<10240x128xf32, #tpu.memory_space<vmem_shared>> -> memref<10240x128xf32, #tpu.memory_space<vmem_shared>>
    tpu.wait_indirect_dma semaphore(%arg18 : memref<!tpu.dma_semaphore, #tpu.memory_space<semaphore_mem>>) src(%arg9 : memref<48x128xf32, #tpu.memory_space<vmem>>) dst(%dma_wait3A_79 : memref<10240x128xf32, #tpu.memory_space<vmem_shared>>)
    %dma_wait3A_80 = arith.constant 10272 : i32
    %dma_wait3A_81 = tpu.memref_slice %arg7[%dma_wait3A_80] : memref<10368xi32, #tpu.memory_space<vmem>> -> memref<48xi32, #tpu.memory_space<vmem>>
    %dma_wait3A_82 = arith.constant 0 : i32
    %dma_wait3A_83 = arith.constant 0 : i32
    %dma_wait3A_84 = tpu.memref_slice %arg12[%dma_wait3A_82, %dma_wait3A_83] : memref<10240x128xf32, #tpu.memory_space<vmem_shared>> -> memref<10240x128xf32, #tpu.memory_space<vmem_shared>>
    tpu.wait_indirect_dma semaphore(%arg19 : memref<!tpu.dma_semaphore, #tpu.memory_space<semaphore_mem>>) src(%arg10 : memref<48x128xf32, #tpu.memory_space<vmem>>) dst(%dma_wait3A_84 : memref<10240x128xf32, #tpu.memory_space<vmem_shared>>)
    %dma_wait3A_85 = arith.constant 10320 : i32
    %dma_wait3A_86 = tpu.memref_slice %arg7[%dma_wait3A_85] : memref<10368xi32, #tpu.memory_space<vmem>> -> memref<48xi32, #tpu.memory_space<vmem>>
    %dma_wait3A_87 = arith.constant 0 : i32
    %dma_wait3A_88 = arith.constant 0 : i32
    %dma_wait3A_89 = tpu.memref_slice %arg12[%dma_wait3A_87, %dma_wait3A_88] : memref<10240x128xf32, #tpu.memory_space<vmem_shared>> -> memref<10240x128xf32, #tpu.memory_space<vmem_shared>>
    tpu.wait_indirect_dma semaphore(%arg20 : memref<!tpu.dma_semaphore, #tpu.memory_space<semaphore_mem>>) src(%arg11 : memref<48x128xf32, #tpu.memory_space<vmem>>) dst(%dma_wait3A_89 : memref<10240x128xf32, #tpu.memory_space<vmem_shared>>)
    %barrier3A_90 = arith.constant 0 : index
    tpu.barrier barrier_id(%barrier3A_90)
    "tpu.region"() ({
      %run_scoped3A = tpu.sem_alloc : memref<!tpu.dma_semaphore, #tpu.memory_space<semaphore_mem>>
      %dma_start3A_91 = arith.constant 0 : i32
      %dma_start3A_92 = tpu.memref_slice %arg5[%arg0, %mul3A_6, %dma_start3A_91] : memref<2x10240x128xf32, #tpu.memory_space<hbm>> -> memref<1x640x128xf32, #tpu.memory_space<hbm>>
      %dma_start3A_93 = tpu.memref_squeeze %dma_start3A_92 : memref<1x640x128xf32, #tpu.memory_space<hbm>> -> memref<640x128xf32, #tpu.memory_space<hbm>>
      %dma_start3A_94 = arith.constant 0 : i32
      %dma_start3A_95 = tpu.memref_slice %arg12[%mul3A_6, %dma_start3A_94] : memref<10240x128xf32, #tpu.memory_space<vmem_shared>> -> memref<640x128xf32, #tpu.memory_space<vmem_shared>>
      tpu.enqueue_dma source(%dma_start3A_95 : memref<640x128xf32, #tpu.memory_space<vmem_shared>>) target(%dma_start3A_93 : memref<640x128xf32, #tpu.memory_space<hbm>>) target_semaphore(%run_scoped3A : memref<!tpu.dma_semaphore, #tpu.memory_space<semaphore_mem>>)
      %dma_wait3A_96 = arith.constant 0 : i32
      %dma_wait3A_97 = tpu.memref_slice %arg5[%arg0, %mul3A_6, %dma_wait3A_96] : memref<2x10240x128xf32, #tpu.memory_space<hbm>> -> memref<1x640x128xf32, #tpu.memory_space<hbm>>
      %dma_wait3A_98 = tpu.memref_squeeze %dma_wait3A_97 : memref<1x640x128xf32, #tpu.memory_space<hbm>> -> memref<640x128xf32, #tpu.memory_space<hbm>>
      %dma_wait3A_99 = arith.constant 0 : i32
      %dma_wait3A_100 = tpu.memref_slice %arg12[%mul3A_6, %dma_wait3A_99] : memref<10240x128xf32, #tpu.memory_space<vmem_shared>> -> memref<640x128xf32, #tpu.memory_space<vmem_shared>>
      tpu.wait_dma2 semaphore(%run_scoped3A : memref<!tpu.dma_semaphore, #tpu.memory_space<semaphore_mem>>) src(%dma_wait3A_100 : memref<640x128xf32, #tpu.memory_space<vmem_shared>>) dst(%dma_wait3A_98 : memref<640x128xf32, #tpu.memory_space<hbm>>)
      tpu.yield
    }) : () -> ()
    return
  }
}

#map = affine_map<(d0, d1) -> (0)>
#map1 = affine_map<(d0, d1) -> (0, 0)>
module attributes {stable_mosaic.version = 14 : i64} {
  func.func @_l2_body(%arg0: i32, %arg1: i32, %arg2: memref<20480xf32, #tpu.memory_space<hbm>>, %arg3: memref<331776xi32, #tpu.memory_space<hbm>>, %arg4: memref<331776xi32, #tpu.memory_space<hbm>>, %arg5: memref<2x20480xf32, #tpu.memory_space<hbm>>, %arg6: memref<10368xi32, #tpu.memory_space<vmem>>, %arg7: memref<10368xi32, #tpu.memory_space<vmem>>, %arg8: memref<20480xf32, #tpu.memory_space<vmem>>, %arg9: memref<20480xf32, #tpu.memory_space<vmem>>, %arg10: memref<16x1280xf32, #tpu.memory_space<vmem>>, %arg11: memref<1280xf32, #tpu.memory_space<vmem>>, %arg12: memref<16x20480xf32, #tpu.memory_space<vmem_shared>>, %arg13: memref<!tpu.dma_semaphore, #tpu.memory_space<semaphore_mem>>, %arg14: memref<!tpu.dma_semaphore, #tpu.memory_space<semaphore_mem>>, %arg15: memref<!tpu.dma_semaphore, #tpu.memory_space<semaphore_mem>>) attributes {dimension_semantics = [#tpu.dimension_semantics<core_parallel>, #tpu.dimension_semantics<subcore_parallel>], iteration_bounds = array<i64: 2, 16>, scalar_prefetch = 0 : i64, scratch_operands = 10 : i64, tpu.core_type = #tpu.core_type<sc_vector_subcore>, window_params = [{transform_indices = #map}, {transform_indices = #map}, {transform_indices = #map}, {transform_indices = #map1}]} {
    %mul3A = arith.constant 16 : i32
    %mul3A_0 = arith.muli %arg0, %mul3A : i32
    %add3A = arith.addi %mul3A_0, %arg1 : i32
    %mul3A_1 = arith.constant 10368 : i32
    %mul3A_2 = arith.muli %add3A, %mul3A_1 : i32
    %dma_start3A = tpu.memref_slice %arg3[%mul3A_2] : memref<331776xi32, #tpu.memory_space<hbm>> -> memref<10368xi32, #tpu.memory_space<hbm>>
    %dma_start3A_3 = tpu.memref_slice %arg3[%mul3A_2] : memref<331776xi32, #tpu.memory_space<hbm>> -> memref<10368xi32, #tpu.memory_space<hbm>>
    tpu.enqueue_dma source(%dma_start3A_3 : memref<10368xi32, #tpu.memory_space<hbm>>) target(%arg6 : memref<10368xi32, #tpu.memory_space<vmem>>) target_semaphore(%arg13 : memref<!tpu.dma_semaphore, #tpu.memory_space<semaphore_mem>>)
    %mul3A_4 = arith.constant 10368 : i32
    %mul3A_5 = arith.muli %add3A, %mul3A_4 : i32
    %dma_start3A_6 = tpu.memref_slice %arg4[%mul3A_5] : memref<331776xi32, #tpu.memory_space<hbm>> -> memref<10368xi32, #tpu.memory_space<hbm>>
    %dma_start3A_7 = tpu.memref_slice %arg4[%mul3A_5] : memref<331776xi32, #tpu.memory_space<hbm>> -> memref<10368xi32, #tpu.memory_space<hbm>>
    tpu.enqueue_dma source(%dma_start3A_7 : memref<10368xi32, #tpu.memory_space<hbm>>) target(%arg7 : memref<10368xi32, #tpu.memory_space<vmem>>) target_semaphore(%arg14 : memref<!tpu.dma_semaphore, #tpu.memory_space<semaphore_mem>>)
    tpu.enqueue_dma source(%arg2 : memref<20480xf32, #tpu.memory_space<hbm>>) target(%arg8 : memref<20480xf32, #tpu.memory_space<vmem>>) target_semaphore(%arg15 : memref<!tpu.dma_semaphore, #tpu.memory_space<semaphore_mem>>)
    %scan3A = arith.constant 0 : i32
    %scan3A_8 = arith.constant 0 : i32
    %scan3A_9 = arith.constant 1280 : i32
    %scan3A_10 = arith.addi %scan3A_8, %scan3A_9 : i32
    %scan3A_11 = arith.constant 1 : i32
    scf.for %scan3A_32 = %scan3A_8 to %scan3A_10 step %scan3A_11  : i32 {
      %broadcast_in_dim3A = arith.constant 0.000000e+00 : f32
      %broadcast_in_dim3A_33 = vector.broadcast %broadcast_in_dim3A : f32 to vector<16xf32>
      %mul3A_34 = arith.constant 16 : i32
      %mul3A_35 = arith.muli %scan3A_32, %mul3A_34 : i32
      %swap3A = arith.index_cast %mul3A_35 : i32 to index
      %swap3A_36 = tpu.vector_load %arg9[%swap3A] {strides = array<i32>} : memref<20480xf32, #tpu.memory_space<vmem>>, vector<16xf32>,
      tpu.vector_store %arg9[%swap3A], %broadcast_in_dim3A_33 {strides = array<i32>} : memref<20480xf32, #tpu.memory_space<vmem>>, vector<16xf32>,
    }
    %scan3A_12 = arith.constant 1280 : i32
    %dma_wait3A = tpu.memref_slice %arg3[%mul3A_2] : memref<331776xi32, #tpu.memory_space<hbm>> -> memref<10368xi32, #tpu.memory_space<hbm>>
    %dma_wait3A_13 = tpu.memref_slice %arg3[%mul3A_2] : memref<331776xi32, #tpu.memory_space<hbm>> -> memref<10368xi32, #tpu.memory_space<hbm>>
    tpu.wait_dma2 semaphore(%arg13 : memref<!tpu.dma_semaphore, #tpu.memory_space<semaphore_mem>>) src(%dma_wait3A_13 : memref<10368xi32, #tpu.memory_space<hbm>>) dst(%arg6 : memref<10368xi32, #tpu.memory_space<vmem>>)
    %dma_wait3A_14 = tpu.memref_slice %arg4[%mul3A_5] : memref<331776xi32, #tpu.memory_space<hbm>> -> memref<10368xi32, #tpu.memory_space<hbm>>
    %dma_wait3A_15 = tpu.memref_slice %arg4[%mul3A_5] : memref<331776xi32, #tpu.memory_space<hbm>> -> memref<10368xi32, #tpu.memory_space<hbm>>
    tpu.wait_dma2 semaphore(%arg14 : memref<!tpu.dma_semaphore, #tpu.memory_space<semaphore_mem>>) src(%dma_wait3A_15 : memref<10368xi32, #tpu.memory_space<hbm>>) dst(%arg7 : memref<10368xi32, #tpu.memory_space<vmem>>)
    tpu.wait_dma2 semaphore(%arg15 : memref<!tpu.dma_semaphore, #tpu.memory_space<semaphore_mem>>) src(%arg2 : memref<20480xf32, #tpu.memory_space<hbm>>) dst(%arg8 : memref<20480xf32, #tpu.memory_space<vmem>>)
    %scan3A_16 = arith.constant 0 : i32
    %scan3A_17 = arith.constant 0 : i32
    %scan3A_18 = arith.constant 648 : i32
    %scan3A_19 = arith.addi %scan3A_17, %scan3A_18 : i32
    %scan3A_20 = arith.constant 1 : i32
    scf.for %scan3A_32 = %scan3A_17 to %scan3A_19 step %scan3A_20  : i32 {
      %mul3A_33 = arith.constant 16 : i32
      %mul3A_34 = arith.muli %scan3A_32, %mul3A_33 : i32
      %get3A = arith.index_cast %mul3A_34 : i32 to index
      %get3A_35 = tpu.vector_load %arg6[%get3A] {strides = array<i32>} : memref<10368xi32, #tpu.memory_space<vmem>>, vector<16xi32>,
      %mul3A_36 = arith.constant 2 : i32
      %mul3A_37 = vector.broadcast %mul3A_36 : i32 to vector<16xi32>
      %mul3A_38 = arith.muli %get3A_35, %mul3A_37 : vector<16xi32>
      %mul3A_39 = arith.constant 16 : i32
      %mul3A_40 = arith.muli %scan3A_32, %mul3A_39 : i32
      %get3A_41 = arith.index_cast %mul3A_40 : i32 to index
      %get3A_42 = tpu.vector_load %arg7[%get3A_41] {strides = array<i32>} : memref<10368xi32, #tpu.memory_space<vmem>>, vector<16xi32>,
      %mul3A_43 = arith.constant 2 : i32
      %mul3A_44 = vector.broadcast %mul3A_43 : i32 to vector<16xi32>
      %mul3A_45 = arith.muli %get3A_42, %mul3A_44 : vector<16xi32>
      %gather3A = tpu.vector_load_idx %arg8[%mul3A_38] : memref<20480xf32, #tpu.memory_space<vmem>>[vector<16xi32>], vector<16xf32>,
      %add3A_46 = arith.constant 1 : i32
      %add3A_47 = vector.broadcast %add3A_46 : i32 to vector<16xi32>
      %add3A_48 = arith.addi %mul3A_38, %add3A_47 : vector<16xi32>
      %gather3A_49 = tpu.vector_load_idx %arg8[%add3A_48] : memref<20480xf32, #tpu.memory_space<vmem>>[vector<16xi32>], vector<16xf32>,
      tpu.vector_store_idx %arg9[%mul3A_45], %gather3A {add = true} : memref<20480xf32, #tpu.memory_space<vmem>>[vector<16xi32>], vector<16xf32>,
      %add3A_50 = arith.constant 1 : i32
      %add3A_51 = vector.broadcast %add3A_50 : i32 to vector<16xi32>
      %add3A_52 = arith.addi %mul3A_45, %add3A_51 : vector<16xi32>
      tpu.vector_store_idx %arg9[%add3A_52], %gather3A_49 {add = true} : memref<20480xf32, #tpu.memory_space<vmem>>[vector<16xi32>], vector<16xf32>,
    }
    %scan3A_21 = arith.constant 648 : i32
    "tpu.region"() ({
      %run_scoped3A = tpu.sem_alloc : memref<!tpu.dma_semaphore, #tpu.memory_space<semaphore_mem>>
      %dma_start3A_32 = arith.constant 0 : i32
      %dma_start3A_33 = tpu.memref_slice %arg12[%arg1, %dma_start3A_32] : memref<16x20480xf32, #tpu.memory_space<vmem_shared>> -> memref<1x20480xf32, #tpu.memory_space<vmem_shared>>
      %dma_start3A_34 = tpu.memref_squeeze %dma_start3A_33 : memref<1x20480xf32, #tpu.memory_space<vmem_shared>> -> memref<20480xf32, #tpu.memory_space<vmem_shared>>
      %dma_start3A_35 = arith.constant 0 : i32
      %dma_start3A_36 = tpu.memref_slice %arg12[%arg1, %dma_start3A_35] : memref<16x20480xf32, #tpu.memory_space<vmem_shared>> -> memref<1x20480xf32, #tpu.memory_space<vmem_shared>>
      %dma_start3A_37 = tpu.memref_squeeze %dma_start3A_36 : memref<1x20480xf32, #tpu.memory_space<vmem_shared>> -> memref<20480xf32, #tpu.memory_space<vmem_shared>>
      tpu.enqueue_dma source(%arg9 : memref<20480xf32, #tpu.memory_space<vmem>>) target(%dma_start3A_37 : memref<20480xf32, #tpu.memory_space<vmem_shared>>) target_semaphore(%run_scoped3A : memref<!tpu.dma_semaphore, #tpu.memory_space<semaphore_mem>>)
      %dma_wait3A_38 = arith.constant 0 : i32
      %dma_wait3A_39 = tpu.memref_slice %arg12[%arg1, %dma_wait3A_38] : memref<16x20480xf32, #tpu.memory_space<vmem_shared>> -> memref<1x20480xf32, #tpu.memory_space<vmem_shared>>
      %dma_wait3A_40 = tpu.memref_squeeze %dma_wait3A_39 : memref<1x20480xf32, #tpu.memory_space<vmem_shared>> -> memref<20480xf32, #tpu.memory_space<vmem_shared>>
      %dma_wait3A_41 = arith.constant 0 : i32
      %dma_wait3A_42 = tpu.memref_slice %arg12[%arg1, %dma_wait3A_41] : memref<16x20480xf32, #tpu.memory_space<vmem_shared>> -> memref<1x20480xf32, #tpu.memory_space<vmem_shared>>
      %dma_wait3A_43 = tpu.memref_squeeze %dma_wait3A_42 : memref<1x20480xf32, #tpu.memory_space<vmem_shared>> -> memref<20480xf32, #tpu.memory_space<vmem_shared>>
      tpu.wait_dma2 semaphore(%run_scoped3A : memref<!tpu.dma_semaphore, #tpu.memory_space<semaphore_mem>>) src(%arg9 : memref<20480xf32, #tpu.memory_space<vmem>>) dst(%dma_wait3A_43 : memref<20480xf32, #tpu.memory_space<vmem_shared>>)
      tpu.yield
    }) : () -> ()
    %barrier3A = arith.constant 0 : index
    tpu.barrier barrier_id(%barrier3A)
    %mul3A_22 = arith.constant 1280 : i32
    %mul3A_23 = arith.muli %arg1, %mul3A_22 : i32
    "tpu.region"() ({
      %run_scoped3A = tpu.sem_alloc : memref<!tpu.dma_semaphore, #tpu.memory_space<semaphore_mem>>
      %dma_start3A_32 = arith.constant 0 : i32
      %dma_start3A_33 = tpu.memref_slice %arg12[%dma_start3A_32, %mul3A_23] : memref<16x20480xf32, #tpu.memory_space<vmem_shared>> -> memref<16x1280xf32, #tpu.memory_space<vmem_shared>>
      %dma_start3A_34 = arith.constant 0 : i32
      %dma_start3A_35 = tpu.memref_slice %arg12[%dma_start3A_34, %mul3A_23] : memref<16x20480xf32, #tpu.memory_space<vmem_shared>> -> memref<16x1280xf32, #tpu.memory_space<vmem_shared>>
      tpu.enqueue_dma source(%dma_start3A_35 : memref<16x1280xf32, #tpu.memory_space<vmem_shared>>) target(%arg10 : memref<16x1280xf32, #tpu.memory_space<vmem>>) target_semaphore(%run_scoped3A : memref<!tpu.dma_semaphore, #tpu.memory_space<semaphore_mem>>)
      %dma_wait3A_36 = arith.constant 0 : i32
      %dma_wait3A_37 = tpu.memref_slice %arg12[%dma_wait3A_36, %mul3A_23] : memref<16x20480xf32, #tpu.memory_space<vmem_shared>> -> memref<16x1280xf32, #tpu.memory_space<vmem_shared>>
      %dma_wait3A_38 = arith.constant 0 : i32
      %dma_wait3A_39 = tpu.memref_slice %arg12[%dma_wait3A_38, %mul3A_23] : memref<16x20480xf32, #tpu.memory_space<vmem_shared>> -> memref<16x1280xf32, #tpu.memory_space<vmem_shared>>
      tpu.wait_dma2 semaphore(%run_scoped3A : memref<!tpu.dma_semaphore, #tpu.memory_space<semaphore_mem>>) src(%dma_wait3A_39 : memref<16x1280xf32, #tpu.memory_space<vmem_shared>>) dst(%arg10 : memref<16x1280xf32, #tpu.memory_space<vmem>>)
      tpu.yield
    }) : () -> ()
    %scan3A_24 = arith.constant 0 : i32
    %scan3A_25 = arith.constant 0 : i32
    %scan3A_26 = arith.constant 80 : i32
    %scan3A_27 = arith.addi %scan3A_25, %scan3A_26 : i32
    %scan3A_28 = arith.constant 1 : i32
    scf.for %scan3A_32 = %scan3A_25 to %scan3A_27 step %scan3A_28  : i32 {
      %mul3A_33 = arith.constant 16 : i32
      %mul3A_34 = arith.muli %scan3A_32, %mul3A_33 : i32
      %get3A = arith.constant 0 : i32
      %get3A_35 = arith.index_cast %get3A : i32 to index
      %get3A_36 = arith.index_cast %mul3A_34 : i32 to index
      %get3A_37 = tpu.vector_load %arg10[%get3A_35, %get3A_36] {strides = array<i32>} : memref<16x1280xf32, #tpu.memory_space<vmem>>, vector<16xf32>,
      %get3A_38 = arith.constant 1 : i32
      %get3A_39 = arith.index_cast %get3A_38 : i32 to index
      %get3A_40 = arith.index_cast %mul3A_34 : i32 to index
      %get3A_41 = tpu.vector_load %arg10[%get3A_39, %get3A_40] {strides = array<i32>} : memref<16x1280xf32, #tpu.memory_space<vmem>>, vector<16xf32>,
      %add3A_42 = arith.addf %get3A_37, %get3A_41 : vector<16xf32>
      %get3A_43 = arith.constant 2 : i32
      %get3A_44 = arith.index_cast %get3A_43 : i32 to index
      %get3A_45 = arith.index_cast %mul3A_34 : i32 to index
      %get3A_46 = tpu.vector_load %arg10[%get3A_44, %get3A_45] {strides = array<i32>} : memref<16x1280xf32, #tpu.memory_space<vmem>>, vector<16xf32>,
      %add3A_47 = arith.addf %add3A_42, %get3A_46 : vector<16xf32>
      %get3A_48 = arith.constant 3 : i32
      %get3A_49 = arith.index_cast %get3A_48 : i32 to index
      %get3A_50 = arith.index_cast %mul3A_34 : i32 to index
      %get3A_51 = tpu.vector_load %arg10[%get3A_49, %get3A_50] {strides = array<i32>} : memref<16x1280xf32, #tpu.memory_space<vmem>>, vector<16xf32>,
      %add3A_52 = arith.addf %add3A_47, %get3A_51 : vector<16xf32>
      %get3A_53 = arith.constant 4 : i32
      %get3A_54 = arith.index_cast %get3A_53 : i32 to index
      %get3A_55 = arith.index_cast %mul3A_34 : i32 to index
      %get3A_56 = tpu.vector_load %arg10[%get3A_54, %get3A_55] {strides = array<i32>} : memref<16x1280xf32, #tpu.memory_space<vmem>>, vector<16xf32>,
      %add3A_57 = arith.addf %add3A_52, %get3A_56 : vector<16xf32>
      %get3A_58 = arith.constant 5 : i32
      %get3A_59 = arith.index_cast %get3A_58 : i32 to index
      %get3A_60 = arith.index_cast %mul3A_34 : i32 to index
      %get3A_61 = tpu.vector_load %arg10[%get3A_59, %get3A_60] {strides = array<i32>} : memref<16x1280xf32, #tpu.memory_space<vmem>>, vector<16xf32>,
      %add3A_62 = arith.addf %add3A_57, %get3A_61 : vector<16xf32>
      %get3A_63 = arith.constant 6 : i32
      %get3A_64 = arith.index_cast %get3A_63 : i32 to index
      %get3A_65 = arith.index_cast %mul3A_34 : i32 to index
      %get3A_66 = tpu.vector_load %arg10[%get3A_64, %get3A_65] {strides = array<i32>} : memref<16x1280xf32, #tpu.memory_space<vmem>>, vector<16xf32>,
      %add3A_67 = arith.addf %add3A_62, %get3A_66 : vector<16xf32>
      %get3A_68 = arith.constant 7 : i32
      %get3A_69 = arith.index_cast %get3A_68 : i32 to index
      %get3A_70 = arith.index_cast %mul3A_34 : i32 to index
      %get3A_71 = tpu.vector_load %arg10[%get3A_69, %get3A_70] {strides = array<i32>} : memref<16x1280xf32, #tpu.memory_space<vmem>>, vector<16xf32>,
      %add3A_72 = arith.addf %add3A_67, %get3A_71 : vector<16xf32>
      %get3A_73 = arith.constant 8 : i32
      %get3A_74 = arith.index_cast %get3A_73 : i32 to index
      %get3A_75 = arith.index_cast %mul3A_34 : i32 to index
      %get3A_76 = tpu.vector_load %arg10[%get3A_74, %get3A_75] {strides = array<i32>} : memref<16x1280xf32, #tpu.memory_space<vmem>>, vector<16xf32>,
      %add3A_77 = arith.addf %add3A_72, %get3A_76 : vector<16xf32>
      %get3A_78 = arith.constant 9 : i32
      %get3A_79 = arith.index_cast %get3A_78 : i32 to index
      %get3A_80 = arith.index_cast %mul3A_34 : i32 to index
      %get3A_81 = tpu.vector_load %arg10[%get3A_79, %get3A_80] {strides = array<i32>} : memref<16x1280xf32, #tpu.memory_space<vmem>>, vector<16xf32>,
      %add3A_82 = arith.addf %add3A_77, %get3A_81 : vector<16xf32>
      %get3A_83 = arith.constant 10 : i32
      %get3A_84 = arith.index_cast %get3A_83 : i32 to index
      %get3A_85 = arith.index_cast %mul3A_34 : i32 to index
      %get3A_86 = tpu.vector_load %arg10[%get3A_84, %get3A_85] {strides = array<i32>} : memref<16x1280xf32, #tpu.memory_space<vmem>>, vector<16xf32>,
      %add3A_87 = arith.addf %add3A_82, %get3A_86 : vector<16xf32>
      %get3A_88 = arith.constant 11 : i32
      %get3A_89 = arith.index_cast %get3A_88 : i32 to index
      %get3A_90 = arith.index_cast %mul3A_34 : i32 to index
      %get3A_91 = tpu.vector_load %arg10[%get3A_89, %get3A_90] {strides = array<i32>} : memref<16x1280xf32, #tpu.memory_space<vmem>>, vector<16xf32>,
      %add3A_92 = arith.addf %add3A_87, %get3A_91 : vector<16xf32>
      %get3A_93 = arith.constant 12 : i32
      %get3A_94 = arith.index_cast %get3A_93 : i32 to index
      %get3A_95 = arith.index_cast %mul3A_34 : i32 to index
      %get3A_96 = tpu.vector_load %arg10[%get3A_94, %get3A_95] {strides = array<i32>} : memref<16x1280xf32, #tpu.memory_space<vmem>>, vector<16xf32>,
      %add3A_97 = arith.addf %add3A_92, %get3A_96 : vector<16xf32>
      %get3A_98 = arith.constant 13 : i32
      %get3A_99 = arith.index_cast %get3A_98 : i32 to index
      %get3A_100 = arith.index_cast %mul3A_34 : i32 to index
      %get3A_101 = tpu.vector_load %arg10[%get3A_99, %get3A_100] {strides = array<i32>} : memref<16x1280xf32, #tpu.memory_space<vmem>>, vector<16xf32>,
      %add3A_102 = arith.addf %add3A_97, %get3A_101 : vector<16xf32>
      %get3A_103 = arith.constant 14 : i32
      %get3A_104 = arith.index_cast %get3A_103 : i32 to index
      %get3A_105 = arith.index_cast %mul3A_34 : i32 to index
      %get3A_106 = tpu.vector_load %arg10[%get3A_104, %get3A_105] {strides = array<i32>} : memref<16x1280xf32, #tpu.memory_space<vmem>>, vector<16xf32>,
      %add3A_107 = arith.addf %add3A_102, %get3A_106 : vector<16xf32>
      %get3A_108 = arith.constant 15 : i32
      %get3A_109 = arith.index_cast %get3A_108 : i32 to index
      %get3A_110 = arith.index_cast %mul3A_34 : i32 to index
      %get3A_111 = tpu.vector_load %arg10[%get3A_109, %get3A_110] {strides = array<i32>} : memref<16x1280xf32, #tpu.memory_space<vmem>>, vector<16xf32>,
      %add3A_112 = arith.addf %add3A_107, %get3A_111 : vector<16xf32>
      %swap3A = arith.index_cast %mul3A_34 : i32 to index
      %swap3A_113 = tpu.vector_load %arg11[%swap3A] {strides = array<i32>} : memref<1280xf32, #tpu.memory_space<vmem>>, vector<16xf32>,
      tpu.vector_store %arg11[%swap3A], %add3A_112 {strides = array<i32>} : memref<1280xf32, #tpu.memory_space<vmem>>, vector<16xf32>,
    }
    %scan3A_29 = arith.constant 80 : i32
    %mul3A_30 = arith.constant 1280 : i32
    %mul3A_31 = arith.muli %arg1, %mul3A_30 : i32
    "tpu.region"() ({
      %run_scoped3A = tpu.sem_alloc : memref<!tpu.dma_semaphore, #tpu.memory_space<semaphore_mem>>
      %dma_start3A_32 = tpu.memref_slice %arg5[%arg0, %mul3A_31] : memref<2x20480xf32, #tpu.memory_space<hbm>> -> memref<1x1280xf32, #tpu.memory_space<hbm>>
      %dma_start3A_33 = tpu.memref_squeeze %dma_start3A_32 : memref<1x1280xf32, #tpu.memory_space<hbm>> -> memref<1280xf32, #tpu.memory_space<hbm>>
      %dma_start3A_34 = tpu.memref_slice %arg5[%arg0, %mul3A_31] : memref<2x20480xf32, #tpu.memory_space<hbm>> -> memref<1x1280xf32, #tpu.memory_space<hbm>>
      %dma_start3A_35 = tpu.memref_squeeze %dma_start3A_34 : memref<1x1280xf32, #tpu.memory_space<hbm>> -> memref<1280xf32, #tpu.memory_space<hbm>>
      tpu.enqueue_dma source(%arg11 : memref<1280xf32, #tpu.memory_space<vmem>>) target(%dma_start3A_35 : memref<1280xf32, #tpu.memory_space<hbm>>) target_semaphore(%run_scoped3A : memref<!tpu.dma_semaphore, #tpu.memory_space<semaphore_mem>>)
      %dma_wait3A_36 = tpu.memref_slice %arg5[%arg0, %mul3A_31] : memref<2x20480xf32, #tpu.memory_space<hbm>> -> memref<1x1280xf32, #tpu.memory_space<hbm>>
      %dma_wait3A_37 = tpu.memref_squeeze %dma_wait3A_36 : memref<1x1280xf32, #tpu.memory_space<hbm>> -> memref<1280xf32, #tpu.memory_space<hbm>>
      %dma_wait3A_38 = tpu.memref_slice %arg5[%arg0, %mul3A_31] : memref<2x20480xf32, #tpu.memory_space<hbm>> -> memref<1x1280xf32, #tpu.memory_space<hbm>>
      %dma_wait3A_39 = tpu.memref_squeeze %dma_wait3A_38 : memref<1x1280xf32, #tpu.memory_space<hbm>> -> memref<1280xf32, #tpu.memory_space<hbm>>
      tpu.wait_dma2 semaphore(%run_scoped3A : memref<!tpu.dma_semaphore, #tpu.memory_space<semaphore_mem>>) src(%arg11 : memref<1280xf32, #tpu.memory_space<vmem>>) dst(%dma_wait3A_39 : memref<1280xf32, #tpu.memory_space<hbm>>)
      tpu.yield
    }) : () -> ()
    return
  }
}

#map = affine_map<(d0, d1) -> (0)>
#map1 = affine_map<(d0, d1) -> (0, 0)>
module attributes {stable_mosaic.version = 14 : i64} {
  func.func @_deg_body(%arg0: i32, %arg1: i32, %arg2: memref<331776xi32, #tpu.memory_space<hbm>>, %arg3: memref<2x10240xf32, #tpu.memory_space<hbm>>, %arg4: memref<10368xi32, #tpu.memory_space<vmem>>, %arg5: memref<10240xf32, #tpu.memory_space<vmem>>, %arg6: memref<16x640xf32, #tpu.memory_space<vmem>>, %arg7: memref<640xf32, #tpu.memory_space<vmem>>, %arg8: memref<16x10240xf32, #tpu.memory_space<vmem_shared>>) attributes {dimension_semantics = [#tpu.dimension_semantics<core_parallel>, #tpu.dimension_semantics<subcore_parallel>], iteration_bounds = array<i64: 2, 16>, scalar_prefetch = 0 : i64, scratch_operands = 5 : i64, tpu.core_type = #tpu.core_type<sc_vector_subcore>, window_params = [{transform_indices = #map}, {transform_indices = #map1}]} {
    %mul3A = arith.constant 16 : i32
    %mul3A_0 = arith.muli %arg0, %mul3A : i32
    %add3A = arith.addi %mul3A_0, %arg1 : i32
    %mul3A_1 = arith.constant 10368 : i32
    %mul3A_2 = arith.muli %add3A, %mul3A_1 : i32
    "tpu.region"() ({
      %run_scoped3A = tpu.sem_alloc : memref<!tpu.dma_semaphore, #tpu.memory_space<semaphore_mem>>
      %dma_start3A = tpu.memref_slice %arg2[%mul3A_2] : memref<331776xi32, #tpu.memory_space<hbm>> -> memref<10368xi32, #tpu.memory_space<hbm>>
      %dma_start3A_25 = tpu.memref_slice %arg2[%mul3A_2] : memref<331776xi32, #tpu.memory_space<hbm>> -> memref<10368xi32, #tpu.memory_space<hbm>>
      tpu.enqueue_dma source(%dma_start3A_25 : memref<10368xi32, #tpu.memory_space<hbm>>) target(%arg4 : memref<10368xi32, #tpu.memory_space<vmem>>) target_semaphore(%run_scoped3A : memref<!tpu.dma_semaphore, #tpu.memory_space<semaphore_mem>>)
      %dma_wait3A = tpu.memref_slice %arg2[%mul3A_2] : memref<331776xi32, #tpu.memory_space<hbm>> -> memref<10368xi32, #tpu.memory_space<hbm>>
      %dma_wait3A_26 = tpu.memref_slice %arg2[%mul3A_2] : memref<331776xi32, #tpu.memory_space<hbm>> -> memref<10368xi32, #tpu.memory_space<hbm>>
      tpu.wait_dma2 semaphore(%run_scoped3A : memref<!tpu.dma_semaphore, #tpu.memory_space<semaphore_mem>>) src(%dma_wait3A_26 : memref<10368xi32, #tpu.memory_space<hbm>>) dst(%arg4 : memref<10368xi32, #tpu.memory_space<vmem>>)
      tpu.yield
    }) : () -> ()
    %scan3A = arith.constant 0 : i32
    %scan3A_3 = arith.constant 0 : i32
    %scan3A_4 = arith.constant 640 : i32
    %scan3A_5 = arith.addi %scan3A_3, %scan3A_4 : i32
    %scan3A_6 = arith.constant 1 : i32
    scf.for %scan3A_25 = %scan3A_3 to %scan3A_5 step %scan3A_6  : i32 {
      %broadcast_in_dim3A_26 = arith.constant 0.000000e+00 : f32
      %broadcast_in_dim3A_27 = vector.broadcast %broadcast_in_dim3A_26 : f32 to vector<16xf32>
      %mul3A_28 = arith.constant 16 : i32
      %mul3A_29 = arith.muli %scan3A_25, %mul3A_28 : i32
      %swap3A = arith.index_cast %mul3A_29 : i32 to index
      %swap3A_30 = tpu.vector_load %arg5[%swap3A] {strides = array<i32>} : memref<10240xf32, #tpu.memory_space<vmem>>, vector<16xf32>,
      tpu.vector_store %arg5[%swap3A], %broadcast_in_dim3A_27 {strides = array<i32>} : memref<10240xf32, #tpu.memory_space<vmem>>, vector<16xf32>,
    }
    %scan3A_7 = arith.constant 640 : i32
    %broadcast_in_dim3A = arith.constant 1.000000e+00 : f32
    %broadcast_in_dim3A_8 = vector.broadcast %broadcast_in_dim3A : f32 to vector<16xf32>
    %scan3A_9 = arith.constant 0 : i32
    %scan3A_10 = arith.constant 0 : i32
    %scan3A_11 = arith.constant 648 : i32
    %scan3A_12 = arith.addi %scan3A_10, %scan3A_11 : i32
    %scan3A_13 = arith.constant 1 : i32
    scf.for %scan3A_25 = %scan3A_10 to %scan3A_12 step %scan3A_13  : i32 {
      %mul3A_26 = arith.constant 16 : i32
      %mul3A_27 = arith.muli %scan3A_25, %mul3A_26 : i32
      %get3A = arith.index_cast %mul3A_27 : i32 to index
      %get3A_28 = tpu.vector_load %arg4[%get3A] {strides = array<i32>} : memref<10368xi32, #tpu.memory_space<vmem>>, vector<16xi32>,
      tpu.vector_store_idx %arg5[%get3A_28], %broadcast_in_dim3A_8 {add = true} : memref<10240xf32, #tpu.memory_space<vmem>>[vector<16xi32>], vector<16xf32>,
    }
    %scan3A_14 = arith.constant 648 : i32
    "tpu.region"() ({
      %run_scoped3A = tpu.sem_alloc : memref<!tpu.dma_semaphore, #tpu.memory_space<semaphore_mem>>
      %dma_start3A = arith.constant 0 : i32
      %dma_start3A_25 = tpu.memref_slice %arg8[%arg1, %dma_start3A] : memref<16x10240xf32, #tpu.memory_space<vmem_shared>> -> memref<1x10240xf32, #tpu.memory_space<vmem_shared>>
      %dma_start3A_26 = tpu.memref_squeeze %dma_start3A_25 : memref<1x10240xf32, #tpu.memory_space<vmem_shared>> -> memref<10240xf32, #tpu.memory_space<vmem_shared>>
      %dma_start3A_27 = arith.constant 0 : i32
      %dma_start3A_28 = tpu.memref_slice %arg8[%arg1, %dma_start3A_27] : memref<16x10240xf32, #tpu.memory_space<vmem_shared>> -> memref<1x10240xf32, #tpu.memory_space<vmem_shared>>
      %dma_start3A_29 = tpu.memref_squeeze %dma_start3A_28 : memref<1x10240xf32, #tpu.memory_space<vmem_shared>> -> memref<10240xf32, #tpu.memory_space<vmem_shared>>
      tpu.enqueue_dma source(%arg5 : memref<10240xf32, #tpu.memory_space<vmem>>) target(%dma_start3A_29 : memref<10240xf32, #tpu.memory_space<vmem_shared>>) target_semaphore(%run_scoped3A : memref<!tpu.dma_semaphore, #tpu.memory_space<semaphore_mem>>)
      %dma_wait3A = arith.constant 0 : i32
      %dma_wait3A_30 = tpu.memref_slice %arg8[%arg1, %dma_wait3A] : memref<16x10240xf32, #tpu.memory_space<vmem_shared>> -> memref<1x10240xf32, #tpu.memory_space<vmem_shared>>
      %dma_wait3A_31 = tpu.memref_squeeze %dma_wait3A_30 : memref<1x10240xf32, #tpu.memory_space<vmem_shared>> -> memref<10240xf32, #tpu.memory_space<vmem_shared>>
      %dma_wait3A_32 = arith.constant 0 : i32
      %dma_wait3A_33 = tpu.memref_slice %arg8[%arg1, %dma_wait3A_32] : memref<16x10240xf32, #tpu.memory_space<vmem_shared>> -> memref<1x10240xf32, #tpu.memory_space<vmem_shared>>
      %dma_wait3A_34 = tpu.memref_squeeze %dma_wait3A_33 : memref<1x10240xf32, #tpu.memory_space<vmem_shared>> -> memref<10240xf32, #tpu.memory_space<vmem_shared>>
      tpu.wait_dma2 semaphore(%run_scoped3A : memref<!tpu.dma_semaphore, #tpu.memory_space<semaphore_mem>>) src(%arg5 : memref<10240xf32, #tpu.memory_space<vmem>>) dst(%dma_wait3A_34 : memref<10240xf32, #tpu.memory_space<vmem_shared>>)
      tpu.yield
    }) : () -> ()
    %barrier3A = arith.constant 0 : index
    tpu.barrier barrier_id(%barrier3A)
    %mul3A_15 = arith.constant 640 : i32
    %mul3A_16 = arith.muli %arg1, %mul3A_15 : i32
    "tpu.region"() ({
      %run_scoped3A = tpu.sem_alloc : memref<!tpu.dma_semaphore, #tpu.memory_space<semaphore_mem>>
      %dma_start3A = arith.constant 0 : i32
      %dma_start3A_25 = tpu.memref_slice %arg8[%dma_start3A, %mul3A_16] : memref<16x10240xf32, #tpu.memory_space<vmem_shared>> -> memref<16x640xf32, #tpu.memory_space<vmem_shared>>
      %dma_start3A_26 = arith.constant 0 : i32
      %dma_start3A_27 = tpu.memref_slice %arg8[%dma_start3A_26, %mul3A_16] : memref<16x10240xf32, #tpu.memory_space<vmem_shared>> -> memref<16x640xf32, #tpu.memory_space<vmem_shared>>
      tpu.enqueue_dma source(%dma_start3A_27 : memref<16x640xf32, #tpu.memory_space<vmem_shared>>) target(%arg6 : memref<16x640xf32, #tpu.memory_space<vmem>>) target_semaphore(%run_scoped3A : memref<!tpu.dma_semaphore, #tpu.memory_space<semaphore_mem>>)
      %dma_wait3A = arith.constant 0 : i32
      %dma_wait3A_28 = tpu.memref_slice %arg8[%dma_wait3A, %mul3A_16] : memref<16x10240xf32, #tpu.memory_space<vmem_shared>> -> memref<16x640xf32, #tpu.memory_space<vmem_shared>>
      %dma_wait3A_29 = arith.constant 0 : i32
      %dma_wait3A_30 = tpu.memref_slice %arg8[%dma_wait3A_29, %mul3A_16] : memref<16x10240xf32, #tpu.memory_space<vmem_shared>> -> memref<16x640xf32, #tpu.memory_space<vmem_shared>>
      tpu.wait_dma2 semaphore(%run_scoped3A : memref<!tpu.dma_semaphore, #tpu.memory_space<semaphore_mem>>) src(%dma_wait3A_30 : memref<16x640xf32, #tpu.memory_space<vmem_shared>>) dst(%arg6 : memref<16x640xf32, #tpu.memory_space<vmem>>)
      tpu.yield
    }) : () -> ()
    %scan3A_17 = arith.constant 0 : i32
    %scan3A_18 = arith.constant 0 : i32
    %scan3A_19 = arith.constant 40 : i32
    %scan3A_20 = arith.addi %scan3A_18, %scan3A_19 : i32
    %scan3A_21 = arith.constant 1 : i32
    scf.for %scan3A_25 = %scan3A_18 to %scan3A_20 step %scan3A_21  : i32 {
      %mul3A_26 = arith.constant 16 : i32
      %mul3A_27 = arith.muli %scan3A_25, %mul3A_26 : i32
      %get3A = arith.constant 0 : i32
      %get3A_28 = arith.index_cast %get3A : i32 to index
      %get3A_29 = arith.index_cast %mul3A_27 : i32 to index
      %get3A_30 = tpu.vector_load %arg6[%get3A_28, %get3A_29] {strides = array<i32>} : memref<16x640xf32, #tpu.memory_space<vmem>>, vector<16xf32>,
      %get3A_31 = arith.constant 1 : i32
      %get3A_32 = arith.index_cast %get3A_31 : i32 to index
      %get3A_33 = arith.index_cast %mul3A_27 : i32 to index
      %get3A_34 = tpu.vector_load %arg6[%get3A_32, %get3A_33] {strides = array<i32>} : memref<16x640xf32, #tpu.memory_space<vmem>>, vector<16xf32>,
      %add3A_35 = arith.addf %get3A_30, %get3A_34 : vector<16xf32>
      %get3A_36 = arith.constant 2 : i32
      %get3A_37 = arith.index_cast %get3A_36 : i32 to index
      %get3A_38 = arith.index_cast %mul3A_27 : i32 to index
      %get3A_39 = tpu.vector_load %arg6[%get3A_37, %get3A_38] {strides = array<i32>} : memref<16x640xf32, #tpu.memory_space<vmem>>, vector<16xf32>,
      %add3A_40 = arith.addf %add3A_35, %get3A_39 : vector<16xf32>
      %get3A_41 = arith.constant 3 : i32
      %get3A_42 = arith.index_cast %get3A_41 : i32 to index
      %get3A_43 = arith.index_cast %mul3A_27 : i32 to index
      %get3A_44 = tpu.vector_load %arg6[%get3A_42, %get3A_43] {strides = array<i32>} : memref<16x640xf32, #tpu.memory_space<vmem>>, vector<16xf32>,
      %add3A_45 = arith.addf %add3A_40, %get3A_44 : vector<16xf32>
      %get3A_46 = arith.constant 4 : i32
      %get3A_47 = arith.index_cast %get3A_46 : i32 to index
      %get3A_48 = arith.index_cast %mul3A_27 : i32 to index
      %get3A_49 = tpu.vector_load %arg6[%get3A_47, %get3A_48] {strides = array<i32>} : memref<16x640xf32, #tpu.memory_space<vmem>>, vector<16xf32>,
      %add3A_50 = arith.addf %add3A_45, %get3A_49 : vector<16xf32>
      %get3A_51 = arith.constant 5 : i32
      %get3A_52 = arith.index_cast %get3A_51 : i32 to index
      %get3A_53 = arith.index_cast %mul3A_27 : i32 to index
      %get3A_54 = tpu.vector_load %arg6[%get3A_52, %get3A_53] {strides = array<i32>} : memref<16x640xf32, #tpu.memory_space<vmem>>, vector<16xf32>,
      %add3A_55 = arith.addf %add3A_50, %get3A_54 : vector<16xf32>
      %get3A_56 = arith.constant 6 : i32
      %get3A_57 = arith.index_cast %get3A_56 : i32 to index
      %get3A_58 = arith.index_cast %mul3A_27 : i32 to index
      %get3A_59 = tpu.vector_load %arg6[%get3A_57, %get3A_58] {strides = array<i32>} : memref<16x640xf32, #tpu.memory_space<vmem>>, vector<16xf32>,
      %add3A_60 = arith.addf %add3A_55, %get3A_59 : vector<16xf32>
      %get3A_61 = arith.constant 7 : i32
      %get3A_62 = arith.index_cast %get3A_61 : i32 to index
      %get3A_63 = arith.index_cast %mul3A_27 : i32 to index
      %get3A_64 = tpu.vector_load %arg6[%get3A_62, %get3A_63] {strides = array<i32>} : memref<16x640xf32, #tpu.memory_space<vmem>>, vector<16xf32>,
      %add3A_65 = arith.addf %add3A_60, %get3A_64 : vector<16xf32>
      %get3A_66 = arith.constant 8 : i32
      %get3A_67 = arith.index_cast %get3A_66 : i32 to index
      %get3A_68 = arith.index_cast %mul3A_27 : i32 to index
      %get3A_69 = tpu.vector_load %arg6[%get3A_67, %get3A_68] {strides = array<i32>} : memref<16x640xf32, #tpu.memory_space<vmem>>, vector<16xf32>,
      %add3A_70 = arith.addf %add3A_65, %get3A_69 : vector<16xf32>
      %get3A_71 = arith.constant 9 : i32
      %get3A_72 = arith.index_cast %get3A_71 : i32 to index
      %get3A_73 = arith.index_cast %mul3A_27 : i32 to index
      %get3A_74 = tpu.vector_load %arg6[%get3A_72, %get3A_73] {strides = array<i32>} : memref<16x640xf32, #tpu.memory_space<vmem>>, vector<16xf32>,
      %add3A_75 = arith.addf %add3A_70, %get3A_74 : vector<16xf32>
      %get3A_76 = arith.constant 10 : i32
      %get3A_77 = arith.index_cast %get3A_76 : i32 to index
      %get3A_78 = arith.index_cast %mul3A_27 : i32 to index
      %get3A_79 = tpu.vector_load %arg6[%get3A_77, %get3A_78] {strides = array<i32>} : memref<16x640xf32, #tpu.memory_space<vmem>>, vector<16xf32>,
      %add3A_80 = arith.addf %add3A_75, %get3A_79 : vector<16xf32>
      %get3A_81 = arith.constant 11 : i32
      %get3A_82 = arith.index_cast %get3A_81 : i32 to index
      %get3A_83 = arith.index_cast %mul3A_27 : i32 to index
      %get3A_84 = tpu.vector_load %arg6[%get3A_82, %get3A_83] {strides = array<i32>} : memref<16x640xf32, #tpu.memory_space<vmem>>, vector<16xf32>,
      %add3A_85 = arith.addf %add3A_80, %get3A_84 : vector<16xf32>
      %get3A_86 = arith.constant 12 : i32
      %get3A_87 = arith.index_cast %get3A_86 : i32 to index
      %get3A_88 = arith.index_cast %mul3A_27 : i32 to index
      %get3A_89 = tpu.vector_load %arg6[%get3A_87, %get3A_88] {strides = array<i32>} : memref<16x640xf32, #tpu.memory_space<vmem>>, vector<16xf32>,
      %add3A_90 = arith.addf %add3A_85, %get3A_89 : vector<16xf32>
      %get3A_91 = arith.constant 13 : i32
      %get3A_92 = arith.index_cast %get3A_91 : i32 to index
      %get3A_93 = arith.index_cast %mul3A_27 : i32 to index
      %get3A_94 = tpu.vector_load %arg6[%get3A_92, %get3A_93] {strides = array<i32>} : memref<16x640xf32, #tpu.memory_space<vmem>>, vector<16xf32>,
      %add3A_95 = arith.addf %add3A_90, %get3A_94 : vector<16xf32>
      %get3A_96 = arith.constant 14 : i32
      %get3A_97 = arith.index_cast %get3A_96 : i32 to index
      %get3A_98 = arith.index_cast %mul3A_27 : i32 to index
      %get3A_99 = tpu.vector_load %arg6[%get3A_97, %get3A_98] {strides = array<i32>} : memref<16x640xf32, #tpu.memory_space<vmem>>, vector<16xf32>,
      %add3A_100 = arith.addf %add3A_95, %get3A_99 : vector<16xf32>
      %get3A_101 = arith.constant 15 : i32
      %get3A_102 = arith.index_cast %get3A_101 : i32 to index
      %get3A_103 = arith.index_cast %mul3A_27 : i32 to index
      %get3A_104 = tpu.vector_load %arg6[%get3A_102, %get3A_103] {strides = array<i32>} : memref<16x640xf32, #tpu.memory_space<vmem>>, vector<16xf32>,
      %add3A_105 = arith.addf %add3A_100, %get3A_104 : vector<16xf32>
      %swap3A = arith.index_cast %mul3A_27 : i32 to index
      %swap3A_106 = tpu.vector_load %arg7[%swap3A] {strides = array<i32>} : memref<640xf32, #tpu.memory_space<vmem>>, vector<16xf32>,
      tpu.vector_store %arg7[%swap3A], %add3A_105 {strides = array<i32>} : memref<640xf32, #tpu.memory_space<vmem>>, vector<16xf32>,
    }
    %scan3A_22 = arith.constant 40 : i32
    %mul3A_23 = arith.constant 640 : i32
    %mul3A_24 = arith.muli %arg1, %mul3A_23 : i32
    "tpu.region"() ({
      %run_scoped3A = tpu.sem_alloc : memref<!tpu.dma_semaphore, #tpu.memory_space<semaphore_mem>>
      %dma_start3A = tpu.memref_slice %arg3[%arg0, %mul3A_24] : memref<2x10240xf32, #tpu.memory_space<hbm>> -> memref<1x640xf32, #tpu.memory_space<hbm>>
      %dma_start3A_25 = tpu.memref_squeeze %dma_start3A : memref<1x640xf32, #tpu.memory_space<hbm>> -> memref<640xf32, #tpu.memory_space<hbm>>
      %dma_start3A_26 = tpu.memref_slice %arg3[%arg0, %mul3A_24] : memref<2x10240xf32, #tpu.memory_space<hbm>> -> memref<1x640xf32, #tpu.memory_space<hbm>>
      %dma_start3A_27 = tpu.memref_squeeze %dma_start3A_26 : memref<1x640xf32, #tpu.memory_space<hbm>> -> memref<640xf32, #tpu.memory_space<hbm>>
      tpu.enqueue_dma source(%arg7 : memref<640xf32, #tpu.memory_space<vmem>>) target(%dma_start3A_27 : memref<640xf32, #tpu.memory_space<hbm>>) target_semaphore(%run_scoped3A : memref<!tpu.dma_semaphore, #tpu.memory_space<semaphore_mem>>)
      %dma_wait3A = tpu.memref_slice %arg3[%arg0, %mul3A_24] : memref<2x10240xf32, #tpu.memory_space<hbm>> -> memref<1x640xf32, #tpu.memory_space<hbm>>
      %dma_wait3A_28 = tpu.memref_squeeze %dma_wait3A : memref<1x640xf32, #tpu.memory_space<hbm>> -> memref<640xf32, #tpu.memory_space<hbm>>
      %dma_wait3A_29 = tpu.memref_slice %arg3[%arg0, %mul3A_24] : memref<2x10240xf32, #tpu.memory_space<hbm>> -> memref<1x640xf32, #tpu.memory_space<hbm>>
      %dma_wait3A_30 = tpu.memref_squeeze %dma_wait3A_29 : memref<1x640xf32, #tpu.memory_space<hbm>> -> memref<640xf32, #tpu.memory_space<hbm>>
      tpu.wait_dma2 semaphore(%run_scoped3A : memref<!tpu.dma_semaphore, #tpu.memory_space<semaphore_mem>>) src(%arg7 : memref<640xf32, #tpu.memory_space<vmem>>) dst(%dma_wait3A_30 : memref<640xf32, #tpu.memory_space<hbm>>)
      tpu.yield
    }) : () -> ()
    return
  }
}

module attributes {stable_mosaic.version = 14 : i64} {
  func.func @_mm_body(%arg0: i32, %arg1: memref<2048x128xf32, #tpu.memory_space<vmem>>, %arg2: memref<128x128xf32, #tpu.memory_space<vmem>>, %arg3: memref<2048x128xf32, #tpu.memory_space<vmem>>) attributes {dimension_semantics = [#tpu.dimension_semantics<arbitrary>], iteration_bounds = array<i64: 5>, scalar_prefetch = 0 : i64, scratch_operands = 0 : i64, tpu.core_type = #tpu.core_type<tc>, window_params = [{transform_indices = @transform_0, window_bounds = array<i64: 2048, 128>}, {pipeline_mode = #tpu.pipeline_mode<synchronous>, transform_indices = @transform_1, window_bounds = array<i64: 128, 128>}, {transform_indices = @transform_2, window_bounds = array<i64: 2048, 128>}]} {
    %get3A = arith.constant 0 : index
    %get3A_0 = arith.constant 0 : index
    %get3A_1 = vector.load %arg1[%get3A, %get3A_0] : memref<2048x128xf32, #tpu.memory_space<vmem>>, vector<2048x128xf32>
    %get3A_2 = arith.constant 0 : index
    %get3A_3 = arith.constant 0 : index
    %get3A_4 = vector.load %arg2[%get3A_2, %get3A_3] : memref<128x128xf32, #tpu.memory_space<vmem>>, vector<128x128xf32>
    %dot_general3A = arith.constant dense<0.000000e+00> : vector<2048x128xf32>
    %dot_general3A_5 = tpu.matmul %get3A_1, %get3A_4, %dot_general3A {dimension_numbers = #tpu.dot_dimension_numbers<[1], [0], [0], [1], [0, 0, 1, 1], [], []>, transpose_lhs_hint = false} : vector<2048x128xf32>, vector<128x128xf32>, vector<2048x128xf32> -> vector<2048x128xf32>
    %swap3A = arith.constant 0 : index
    %swap3A_6 = arith.constant 0 : index
    %swap3A_7 = vector.load %arg3[%swap3A, %swap3A_6] : memref<2048x128xf32, #tpu.memory_space<vmem>>, vector<2048x128xf32>
    tpu.vector_store %arg3[%swap3A, %swap3A_6], %dot_general3A_5 {strides = array<i32>} : memref<2048x128xf32, #tpu.memory_space<vmem>>, vector<2048x128xf32>,
    return
  }
  func.func @transform_0(%arg0: i32) -> (i32, i32) {
    %c0_i32 = arith.constant 0 : i32
    %c0_i32_0 = arith.constant 0 : i32
    return %arg0, %c0_i32 : i32, i32
  }
  func.func @transform_1(%arg0: i32) -> (i32, i32) {
    %c0_i32 = arith.constant 0 : i32
    %c0_i32_0 = arith.constant 0 : i32
    %c0_i32_1 = arith.constant 0 : i32
    return %c0_i32, %c0_i32_0 : i32, i32
  }
  func.func @transform_2(%arg0: i32) -> (i32, i32) {
    %c0_i32 = arith.constant 0 : i32
    %c0_i32_0 = arith.constant 0 : i32
    return %arg0, %c0_i32 : i32, i32
  }
}

module attributes {stable_mosaic.version = 14 : i64} {
  func.func @_scale_body(%arg0: i32, %arg1: memref<2048x1xf32, #tpu.memory_space<vmem>>, %arg2: memref<2048x128xf32, #tpu.memory_space<vmem>>, %arg3: memref<2048x128xf32, #tpu.memory_space<vmem>>) attributes {dimension_semantics = [#tpu.dimension_semantics<arbitrary>], iteration_bounds = array<i64: 5>, scalar_prefetch = 0 : i64, scratch_operands = 0 : i64, tpu.core_type = #tpu.core_type<tc>, window_params = [{transform_indices = @transform_0, window_bounds = array<i64: 2048, 1>}, {transform_indices = @transform_1, window_bounds = array<i64: 2048, 128>}, {transform_indices = @transform_2, window_bounds = array<i64: 2048, 128>}]} {
    %get3A = arith.constant 0 : index
    %get3A_0 = arith.constant 0 : index
    %get3A_1 = vector.load %arg1[%get3A, %get3A_0] : memref<2048x1xf32, #tpu.memory_space<vmem>>, vector<2048x1xf32>
    %rsqrt3A = math.rsqrt %get3A_1 : vector<2048x1xf32>
    %get3A_2 = arith.constant 0 : index
    %get3A_3 = arith.constant 0 : index
    %get3A_4 = vector.load %arg2[%get3A_2, %get3A_3] : memref<2048x128xf32, #tpu.memory_space<vmem>>, vector<2048x128xf32>
    %mul3A = vector.broadcast %rsqrt3A : vector<2048x1xf32> to vector<2048x128xf32>
    %mul3A_5 = arith.mulf %mul3A, %get3A_4 : vector<2048x128xf32>
    %swap3A = arith.constant 0 : index
    %swap3A_6 = arith.constant 0 : index
    %swap3A_7 = vector.load %arg3[%swap3A, %swap3A_6] : memref<2048x128xf32, #tpu.memory_space<vmem>>, vector<2048x128xf32>
    tpu.vector_store %arg3[%swap3A, %swap3A_6], %mul3A_5 {strides = array<i32>} : memref<2048x128xf32, #tpu.memory_space<vmem>>, vector<2048x128xf32>,
    return
  }
  func.func @transform_0(%arg0: i32) -> (i32, i32) {
    %c0_i32 = arith.constant 0 : i32
    %c0_i32_0 = arith.constant 0 : i32
    return %arg0, %c0_i32 : i32, i32
  }
  func.func @transform_1(%arg0: i32) -> (i32, i32) {
    %c0_i32 = arith.constant 0 : i32
    %c0_i32_0 = arith.constant 0 : i32
    return %arg0, %c0_i32 : i32, i32
  }
  func.func @transform_2(%arg0: i32) -> (i32, i32) {
    %c0_i32 = arith.constant 0 : i32
    %c0_i32_0 = arith.constant 0 : i32
    return %arg0, %c0_i32 : i32, i32
  }
}

module attributes {stable_mosaic.version = 14 : i64} {
  func.func @_combine_mm_body(%arg0: i32, %arg1: memref<2048x1xf32, #tpu.memory_space<vmem>>, %arg2: memref<2x2048x128xf32, #tpu.memory_space<vmem>>, %arg3: memref<2048x128xf32, #tpu.memory_space<vmem>>, %arg4: memref<1x128xf32, #tpu.memory_space<vmem>>, %arg5: memref<128x2xf32, #tpu.memory_space<vmem>>, %arg6: memref<2048x2xf32, #tpu.memory_space<vmem>>) attributes {dimension_semantics = [#tpu.dimension_semantics<arbitrary>], iteration_bounds = array<i64: 5>, scalar_prefetch = 0 : i64, scratch_operands = 0 : i64, tpu.core_type = #tpu.core_type<tc>, window_params = [{transform_indices = @transform_0, window_bounds = array<i64: 2048, 1>}, {transform_indices = @transform_1, window_bounds = array<i64: 2, 2048, 128>}, {transform_indices = @transform_2, window_bounds = array<i64: 2048, 128>}, {pipeline_mode = #tpu.pipeline_mode<synchronous>, transform_indices = @transform_3, window_bounds = array<i64: 1, 128>}, {pipeline_mode = #tpu.pipeline_mode<synchronous>, transform_indices = @transform_4, window_bounds = array<i64: 128, 2>}, {transform_indices = @transform_5, window_bounds = array<i64: 2048, 2>}]} {
    %get3A = arith.constant 0 : index
    %get3A_0 = arith.constant 0 : index
    %get3A_1 = vector.load %arg1[%get3A, %get3A_0] : memref<2048x1xf32, #tpu.memory_space<vmem>>, vector<2048x1xf32>
    %rsqrt3A = math.rsqrt %get3A_1 : vector<2048x1xf32>
    %get3A_2 = arith.constant 0 : index
    %get3A_3 = arith.constant 0 : index
    %get3A_4 = arith.constant 0 : index
    %get3A_5 = vector.load %arg2[%get3A_2, %get3A_3, %get3A_4] : memref<2x2048x128xf32, #tpu.memory_space<vmem>>, vector<1x2048x128xf32>
    %get3A_6 = vector.shape_cast %get3A_5 : vector<1x2048x128xf32> to vector<2048x128xf32>
    %get3A_7 = arith.constant 1 : index
    %get3A_8 = arith.constant 0 : index
    %get3A_9 = arith.constant 0 : index
    %get3A_10 = vector.load %arg2[%get3A_7, %get3A_8, %get3A_9] : memref<2x2048x128xf32, #tpu.memory_space<vmem>>, vector<1x2048x128xf32>
    %get3A_11 = vector.shape_cast %get3A_10 : vector<1x2048x128xf32> to vector<2048x128xf32>
    %add3A = arith.addf %get3A_6, %get3A_11 : vector<2048x128xf32>
    %get3A_12 = arith.constant 0 : index
    %get3A_13 = arith.constant 0 : index
    %get3A_14 = vector.load %arg3[%get3A_12, %get3A_13] : memref<2048x128xf32, #tpu.memory_space<vmem>>, vector<2048x128xf32>
    %sub3A = arith.subf %add3A, %get3A_14 : vector<2048x128xf32>
    %mul3A = vector.broadcast %rsqrt3A : vector<2048x1xf32> to vector<2048x128xf32>
    %mul3A_15 = arith.mulf %mul3A, %sub3A : vector<2048x128xf32>
    %get3A_16 = arith.constant 0 : index
    %get3A_17 = arith.constant 0 : index
    %get3A_18 = vector.load %arg4[%get3A_16, %get3A_17] : memref<1x128xf32, #tpu.memory_space<vmem>>, vector<1x128xf32>
    %add3A_19 = vector.broadcast %get3A_18 : vector<1x128xf32> to vector<2048x128xf32>
    %add3A_20 = arith.addf %mul3A_15, %add3A_19 : vector<2048x128xf32>
    %max3A = arith.constant 0.000000e+00 : f32
    %max3A_21 = vector.broadcast %max3A : f32 to vector<2048x128xf32>
    %max3A_22 = arith.maximumf %add3A_20, %max3A_21 : vector<2048x128xf32>
    %get3A_23 = arith.constant 0 : index
    %get3A_24 = arith.constant 0 : index
    %get3A_25 = vector.load %arg5[%get3A_23, %get3A_24] : memref<128x2xf32, #tpu.memory_space<vmem>>, vector<128x2xf32>
    %dot_general3A = arith.constant dense<0.000000e+00> : vector<2048x2xf32>
    %dot_general3A_26 = tpu.matmul %max3A_22, %get3A_25, %dot_general3A {dimension_numbers = #tpu.dot_dimension_numbers<[1], [0], [0], [1], [0, 0, 1, 1], [], []>, transpose_lhs_hint = false} : vector<2048x128xf32>, vector<128x2xf32>, vector<2048x2xf32> -> vector<2048x2xf32>
    %mul3A_27 = vector.broadcast %rsqrt3A : vector<2048x1xf32> to vector<2048x2xf32>
    %mul3A_28 = arith.mulf %mul3A_27, %dot_general3A_26 : vector<2048x2xf32>
    %swap3A = arith.constant 0 : index
    %swap3A_29 = arith.constant 0 : index
    %swap3A_30 = vector.load %arg6[%swap3A, %swap3A_29] : memref<2048x2xf32, #tpu.memory_space<vmem>>, vector<2048x2xf32>
    tpu.vector_store %arg6[%swap3A, %swap3A_29], %mul3A_28 {strides = array<i32>} : memref<2048x2xf32, #tpu.memory_space<vmem>>, vector<2048x2xf32>,
    return
  }
  func.func @transform_0(%arg0: i32) -> (i32, i32) {
    %c0_i32 = arith.constant 0 : i32
    %c0_i32_0 = arith.constant 0 : i32
    return %arg0, %c0_i32 : i32, i32
  }
  func.func @transform_1(%arg0: i32) -> (i32, i32, i32) {
    %c0_i32 = arith.constant 0 : i32
    %c0_i32_0 = arith.constant 0 : i32
    %c0_i32_1 = arith.constant 0 : i32
    return %c0_i32, %arg0, %c0_i32_0 : i32, i32, i32
  }
  func.func @transform_2(%arg0: i32) -> (i32, i32) {
    %c0_i32 = arith.constant 0 : i32
    %c0_i32_0 = arith.constant 0 : i32
    return %arg0, %c0_i32 : i32, i32
  }
  func.func @transform_3(%arg0: i32) -> (i32, i32) {
    %c0_i32 = arith.constant 0 : i32
    %c0_i32_0 = arith.constant 0 : i32
    %c0_i32_1 = arith.constant 0 : i32
    return %c0_i32, %c0_i32_0 : i32, i32
  }
  func.func @transform_4(%arg0: i32) -> (i32, i32) {
    %c0_i32 = arith.constant 0 : i32
    %c0_i32_0 = arith.constant 0 : i32
    %c0_i32_1 = arith.constant 0 : i32
    return %c0_i32, %c0_i32_0 : i32, i32
  }
  func.func @transform_5(%arg0: i32) -> (i32, i32) {
    %c0_i32 = arith.constant 0 : i32
    %c0_i32_0 = arith.constant 0 : i32
    return %arg0, %c0_i32 : i32, i32
  }
}

module attributes {stable_mosaic.version = 14 : i64} {
  func.func @_epilogue_body(%arg0: i32, %arg1: memref<10000x1xf32, #tpu.memory_space<vmem>>, %arg2: memref<2x10000x2xf32, #tpu.memory_space<vmem>>, %arg3: memref<10000x2xf32, #tpu.memory_space<vmem>>, %arg4: memref<1x2xf32, #tpu.memory_space<vmem>>, %arg5: memref<10000x2xf32, #tpu.memory_space<vmem>>) attributes {dimension_semantics = [#tpu.dimension_semantics<arbitrary>], iteration_bounds = array<i64: 1>, scalar_prefetch = 0 : i64, scratch_operands = 0 : i64, tpu.core_type = #tpu.core_type<tc>, window_params = [{transform_indices = @transform_0, window_bounds = array<i64: 10000, 1>}, {transform_indices = @transform_1, window_bounds = array<i64: 2, 10000, 2>}, {transform_indices = @transform_2, window_bounds = array<i64: 10000, 2>}, {pipeline_mode = #tpu.pipeline_mode<synchronous>, transform_indices = @transform_3, window_bounds = array<i64: 1, 2>}, {pipeline_mode = #tpu.pipeline_mode<synchronous>, transform_indices = @transform_4, window_bounds = array<i64: 10000, 2>}]} {
    %get3A = arith.constant 0 : index
    %get3A_0 = arith.constant 0 : index
    %get3A_1 = vector.load %arg1[%get3A, %get3A_0] : memref<10000x1xf32, #tpu.memory_space<vmem>>, vector<10000x1xf32>
    %rsqrt3A = math.rsqrt %get3A_1 : vector<10000x1xf32>
    %get3A_2 = arith.constant 0 : index
    %get3A_3 = arith.constant 0 : index
    %get3A_4 = arith.constant 0 : index
    %get3A_5 = vector.load %arg2[%get3A_2, %get3A_3, %get3A_4] : memref<2x10000x2xf32, #tpu.memory_space<vmem>>, vector<1x10000x2xf32>
    %get3A_6 = vector.shape_cast %get3A_5 : vector<1x10000x2xf32> to vector<10000x2xf32>
    %get3A_7 = arith.constant 1 : index
    %get3A_8 = arith.constant 0 : index
    %get3A_9 = arith.constant 0 : index
    %get3A_10 = vector.load %arg2[%get3A_7, %get3A_8, %get3A_9] : memref<2x10000x2xf32, #tpu.memory_space<vmem>>, vector<1x10000x2xf32>
    %get3A_11 = vector.shape_cast %get3A_10 : vector<1x10000x2xf32> to vector<10000x2xf32>
    %add3A = arith.addf %get3A_6, %get3A_11 : vector<10000x2xf32>
    %get3A_12 = arith.constant 0 : index
    %get3A_13 = arith.constant 0 : index
    %get3A_14 = vector.load %arg3[%get3A_12, %get3A_13] : memref<10000x2xf32, #tpu.memory_space<vmem>>, vector<10000x2xf32>
    %add3A_15 = arith.addf %add3A, %get3A_14 : vector<10000x2xf32>
    %mul3A = vector.broadcast %rsqrt3A : vector<10000x1xf32> to vector<10000x2xf32>
    %mul3A_16 = arith.mulf %mul3A, %add3A_15 : vector<10000x2xf32>
    %get3A_17 = arith.constant 0 : index
    %get3A_18 = arith.constant 0 : index
    %get3A_19 = vector.load %arg4[%get3A_17, %get3A_18] : memref<1x2xf32, #tpu.memory_space<vmem>>, vector<1x2xf32>
    %add3A_20 = vector.broadcast %get3A_19 : vector<1x2xf32> to vector<10000x2xf32>
    %add3A_21 = arith.addf %mul3A_16, %add3A_20 : vector<10000x2xf32>
    %swap3A = arith.constant 0 : index
    %swap3A_22 = arith.constant 0 : index
    %swap3A_23 = vector.load %arg5[%swap3A, %swap3A_22] : memref<10000x2xf32, #tpu.memory_space<vmem>>, vector<10000x2xf32>
    tpu.vector_store %arg5[%swap3A, %swap3A_22], %add3A_21 {strides = array<i32>} : memref<10000x2xf32, #tpu.memory_space<vmem>>, vector<10000x2xf32>,
    return
  }
  func.func @transform_0(%arg0: i32) -> (i32, i32) {
    %c0_i32 = arith.constant 0 : i32
    %c0_i32_0 = arith.constant 0 : i32
    %c0_i32_1 = arith.constant 0 : i32
    return %c0_i32, %c0_i32_0 : i32, i32
  }
  func.func @transform_1(%arg0: i32) -> (i32, i32, i32) {
    %c0_i32 = arith.constant 0 : i32
    %c0_i32_0 = arith.constant 0 : i32
    %c0_i32_1 = arith.constant 0 : i32
    %c0_i32_2 = arith.constant 0 : i32
    return %c0_i32, %c0_i32_0, %c0_i32_1 : i32, i32, i32
  }
  func.func @transform_2(%arg0: i32) -> (i32, i32) {
    %c0_i32 = arith.constant 0 : i32
    %c0_i32_0 = arith.constant 0 : i32
    %c0_i32_1 = arith.constant 0 : i32
    return %c0_i32, %c0_i32_0 : i32, i32
  }
  func.func @transform_3(%arg0: i32) -> (i32, i32) {
    %c0_i32 = arith.constant 0 : i32
    %c0_i32_0 = arith.constant 0 : i32
    %c0_i32_1 = arith.constant 0 : i32
    return %c0_i32, %c0_i32_0 : i32, i32
  }
  func.func @transform_4(%arg0: i32) -> (i32, i32) {
    %c0_i32 = arith.constant 0 : i32
    %c0_i32_0 = arith.constant 0 : i32
    %c0_i32_1 = arith.constant 0 : i32
    return %c0_i32, %c0_i32_0 : i32, i32
  }
}

</mosaic_0001>

<sc_bundles>
// kernel: kernel.12.cloned.1.call-start
scs
__scs_entry_jumppad:
0x0: {  	(pc) =	sbr.rel $0x88, $3  }
0x1: {  	(tag) =	ssettag $0x0;
	lr =	simm.s32 $0x1  }
0x2: {  	[smem:$0x3F9B] =	sst lr;
	_ =	strace $0xD0000000  }
0x3: {  	_ = 	snop  }
0x4: {  	_ = 	snop  }
0x5: {  	_ = 	snop  }
0x6: {  	_ = 	snop  }
0x7: {  	_ = 	snop  }
__scs_overlays_trampoline_lowered:
0x8: {  	[smem:$0x3FAA] =	sst s0  }
0x9: {  	[smem:$0x3FAB] =	sst s1  }
0xa: {  	[smem:$0x3FAC] =	sst s2  }
0xb: {  	[smem:$0x3FAD] =	sst s3  }
0xc: {  	[smem:$0x3FAE] =	sst s4  }
0xd: {  	[smem:$0x3FAF] =	sst s5  }
0xe: {  	[smem:$0x3FB0] =	sst s6  }
0xf: {  	[smem:$0x3FB1] =	sst s7  }
0x10: {  	[smem:$0x3FB2] =	sst s8  }
0x11: {  	[smem:$0x3FB3] =	sst s9;
	s0 =	simm.s32 @!p0 $0x0  }
0x12: {  	s1 =	sld [smem:$0x3F99];
	s0 =	simm.s32 @p0 $0x1  }
0x13: {  	[smem:$0x3FB4] =	sst s0;
	s0 =	simm.s32 @!p1 $0x0  }
0x14: {  	s2 =	sld [smem:$0x3F98];
	s0 =	simm.s32 @p1 $0x1  }
0x15: {  	[smem:$0x3FB5] =	sst s0;
	s0 =	simm.s32 @!p2 $0x0  }
0x16: {  	s3 =	sld [smem:$0x3FDB];
	s0 =	simm.s32 @p2 $0x1  }
0x17: {  	s4 =	simm.s32 $0x1BF5;
	[smem:$0x3FB7] =	sst s0  }
0x18: {  	s0 =	sld [smem:$0x3F9A];
	_ =	swait.ge [sflag:s4], $0x0  }
0x19: {  	s7 =	sld [smem:$0x3F9B]  }
0x1a: {  	s8 =	sadd.s32 $0xFFFFE003, lr  }
0x1b: {  	s9 =	sadd.s32 $0xFFFFFEF7, lr;
	s5 =	simm.s32 $0xFFFFFFFF;
	p2 =	slt.u32 s8, $0xFFFFF086  }
0x1c: {  	p1 =	slt.u32 s9, $0xF7A;
	s5 =	simm.s32 @!p2 $0x0  }
0x1d: {  	s5 =	simm.s32 @p1 $0x1;
	p0 =	seq.s32 s7, s2  }
0x1e: {  	s7 =	smul.u32 @!p0 $0xF7A, s2;
	p2 =	seq.s32 @!p0 s5, $0x0  }
0x1f: {  	s9 =	smul.u32 $0xF7A, s1;
	s8 =	simm.s32 @!p0 $0x1BF5;
	p2 =	por !p2, p0  }
0x20: {  	[sflag:s8] =	ssyncset.s32 @!p0 $0xFFFFF086;
	s6 =	sadd.s32 @!p0 s3, s7;
	s7 =	simm.s32 @!p0 $0x108  }
0x21: {  	s3 =	sadd.s32 s3, s9;
	s6 =	sadd.s32 @!p0 $0x88, s6;
	s7 =	simm.s32 @p2 $0x1082  }
0x22: {  	[simem:s7], [sflag:s8] =	dma.local @!p0 [hbm:s6], $0xF7A  }
0x23: {  	s9 =	sor.u32 $0xD0000000, s2;
	s6 =	simm.s32 $0x108;
	_ =	swait.ge @!p0 [sflag:s8], $0x0  }
0x24: {  	s3 =	sadd.s32 $0x88, s3;
	s6 =	simm.s32 @!p1 $0x1082;
	[sflag:s4] =	ssyncset.s32 $0xFFFFF086  }
0x25: {  	[simem:s6], [sflag:s4] =	dma.local [hbm:s3], $0xF7A  }
0x26: {  	[smem:$0x3F9B] =	sst s1;
	(tag) =	ssettag s2;
	_ =	strace s9  }
0x27: {  	s1 =	sld [smem:$0x3FAB]  }
0x28: {  	s2 =	sld [smem:$0x3FAC]  }
0x29: {  	s4 =	sld [smem:$0x3FAE]  }
0x2a: {  	p0 =	seq.s32 s5, $0x0;
	s5 =	sld [smem:$0x3FAF]  }
0x2b: {  	s6 =	sld [smem:$0x3FB0]  }
0x2c: {  	s7 =	sld [smem:$0x3FB1]  }
0x2d: {  	s3 =	simm.s32 $0x108;
	s8 =	sld [smem:$0x3FB2]  }
0x2e: {  	s3 =	simm.s32 @!p0 $0x1082;
	s9 =	sld [smem:$0x3FB3]  }
0x2f: {  	lr =	sadd.s32 s0, s3;
	s0 =	sld [smem:$0x3FAA]  }
0x30: {  	s3 =	sld [smem:$0x3FAD]  }
0x31: {  	[smem:$0x3FB6] =	sst s10  }
0x32: {  	s10 =	sld [smem:$0x3FB4];
	_ =	sdelay $0x3  }
0x33: {  	p0 =	seq.s32 s10, $0x1;
	s10 =	sld [smem:$0x3FB6];
	_ =	sdelay $0x3  }
0x34: {  	[smem:$0x3FB6] =	sst s10  }
0x35: {  	s10 =	sld [smem:$0x3FB5];
	_ =	sdelay $0x3  }
0x36: {  	p1 =	seq.s32 s10, $0x1;
	s10 =	sld [smem:$0x3FB6];
	_ =	sdelay $0x3  }
0x37: {  	[smem:$0x3FB6] =	sst s10  }
0x38: {  	s10 =	sld [smem:$0x3FB7]  }
0x39: {  	_ = 	snop;
	(pc) =	sbr.ind lr, $3  }
0x3a: {  	_ = 	snop  }
0x3b: {  	_ = 	snop  }
0x3c: {  	p2 =	seq.s32 s10, $0x1;
	s10 =	sld [smem:$0x3FB6]  }
0x3d: {  	_ =	shalt  }
0x3e: {  	_ =	shalt  }
0x3f: {  	_ =	shalt  }
0x40: {  	_ =	shalt  }
0x41: {  	_ =	shalt  }
0x42: {  	_ =	shalt  }
0x43: {  	_ =	shalt  }
0x44: {  	_ =	shalt  }
0x45: {  	_ =	shalt  }
0x46: {  	_ =	shalt  }
0x47: {  	_ =	shalt  }
0x48: {  	_ =	shalt  }
0x49: {  	_ =	shalt  }
0x4a: {  	_ =	shalt  }
0x4b: {  	_ =	shalt  }
0x4c: {  	_ =	shalt  }
0x4d: {  	_ =	shalt  }
0x4e: {  	_ =	shalt  }
0x4f: {  	_ =	shalt  }
0x50: {  	_ =	shalt  }
0x51: {  	_ =	shalt  }
0x52: {  	_ =	shalt  }
0x53: {  	_ =	shalt  }
0x54: {  	_ =	shalt  }
0x55: {  	_ =	shalt  }
0x56: {  	_ =	shalt  }
0x57: {  	_ =	shalt  }
0x58: {  	_ =	shalt  }
0x59: {  	_ =	shalt  }
0x5a: {  	_ =	shalt  }
0x5b: {  	_ =	shalt  }
0x5c: {  	_ =	shalt  }
0x5d: {  	_ =	shalt  }
0x5e: {  	_ =	shalt  }
0x5f: {  	_ =	shalt  }
0x60: {  	_ =	shalt  }
0x61: {  	_ =	shalt  }
0x62: {  	_ =	shalt  }
0x63: {  	_ =	shalt  }
0x64: {  	_ =	shalt  }
0x65: {  	_ =	shalt  }
0x66: {  	_ =	shalt  }
0x67: {  	_ =	shalt  }
0x68: {  	_ =	shalt  }
0x69: {  	_ =	shalt  }
0x6a: {  	_ =	shalt  }
0x6b: {  	_ =	shalt  }
0x6c: {  	_ =	shalt  }
0x6d: {  	_ =	shalt  }
0x6e: {  	_ =	shalt  }
0x6f: {  	_ =	shalt  }
0x70: {  	_ =	shalt  }
0x71: {  	_ =	shalt  }
0x72: {  	_ =	shalt  }
0x73: {  	_ =	shalt  }
0x74: {  	_ =	shalt  }
0x75: {  	_ =	shalt  }
0x76: {  	_ =	shalt  }
0x77: {  	_ =	shalt  }
0x78: {  	_ =	shalt  }
0x79: {  	_ =	shalt  }
0x7a: {  	_ =	shalt  }
0x7b: {  	_ =	shalt  }
0x7c: {  	_ =	shalt  }
0x7d: {  	_ =	shalt  }
0x7e: {  	_ =	shalt  }
0x7f: {  	_ =	shalt  }
0x80: {  	_ =	shalt  }
0x81: {  	_ =	shalt  }
0x82: {  	_ =	shalt  }
0x83: {  	_ =	shalt  }
0x84: {  	_ =	shalt  }
0x85: {  	_ =	shalt  }
0x86: {  	_ =	shalt  }
0x87: {  	_ =	shalt  }
.Lfunc_end0:
.L_simem_size_0:
called_computation.1_lowered:
.L_overlay_start_0:
0x88: {  	s2 =	sld [smem:$0x3FD9]  }
0x89: {  	s3 =	sld [smem:$0x3FFE];
	_ =	sdelay $0x1  }
0x8a: {  	s1 =	srdreg.scid  }
0x8b: {  	s0 =	sand.u32 $0x1, s1  }
0x8c: {  	s16 =	sshll.u32 s0, $0xA;
	s2 =	sadd.s32 s3, s2  }
0x8d: {  	s2 =	sadd.s32 s2, s16  }
0x8e: {  	[smem:$0x3FC2] =	sst s2  }
0x8f: {  	_ = 	snop  }
0x90: {  	(tm) =	ssettm $0x1  }
0x91: {  	s17 =	sld [smem:$0x3FFB];
	_ =	sdelay $0x3  }
0x92: {  	_ =	strace s17  }
0x93: {  	s2 =	sld [smem:$0x3FFC];
	_ =	sdelay $0x3  }
0x94: {  	_ =	strace s2  }
0x95: {  	s2 =	sld [smem:$0x3FFD];
	_ =	sdelay $0x3  }
0x96: {  	_ =	strace s2  }
0x97: {  	_ =	strace $0x8FFFFFFF  }
0x98: {  	s18 =	sld [smem:$0x3FDB];
	_ =	sdelay $0x1  }
0x99: {  	s19 =	simm.s32 $_scs_section_size  }
0x9a: {  	s4 =	simm.s32 $_size__tile_overlayer_lowered;
	s5 =	simm.s32 $_tile_overlayer_lowered  }
0x9b: {  	s22 =	simm.s32 $0x1BFF;
	s21 =	sshll.u32 s5, $0x1;
	s2 =	sadd.s32 s19, s18  }
0x9c: {  	s6 =	simm.s32 $0x0;
	s20 =	sshll.u32 s4, $0x1;
	s4 =	sadd.s32 s21, s2  }
0x9d: {  	[timem:s6], [sflag:s22] =	dma.local [hbm:s4], s20  }
0x9e: {  	_ =	swait.ge [sflag:s22], s20  }
0x9f: {  	s3 =	ssub.s32 $0x0, s20;
	[sflag:s22] =	ssyncset.done $0x0  }
0xa0: {  	[sflag:s22] =	ssyncadd.s32 s3;
	_ =	sdelay $0x1  }
0xa1: {  	s23 =	simm.s32 $0x1B8B  }
0xa2: {  	_ =	swait.ge [sflag:s23], $0x1  }
0xa3: {  	[sflag:s23] =	ssyncset.done $0x0  }
0xa4: {  	s25 =	simm.s32 $0x1B8E;
	s24 =	sld [smem:$0x3FFE];
	[sflag:s23] =	ssyncadd.s32 $0xFFFFFFFF  }
0xa5: {  	s26 =	simm.s32 $execute0_lowered;
	[smem:$0x3FD2] =	sst s25  }
0xa6: {  	s4 =	sshll.u32 s26, $0x1;
	_ =	strace $0x80000049;
	[dreg:$0x1] =	wrdreg $0xFFFFFFFF  }
0xa7: {  	s28 =	simm.s32 $_size_execute0_lowered;
	s2 =	sadd.s32 s2, s4;
	[dreg:$0x0] =	wrdreg $0x0  }
0xa8: {  	s4 =	sshll.u32 s28, $0x1;
	[dreg:$0x2] =	wrdreg s2  }
0xa9: {  	[dreg:$0x3] =	wrdreg s4  }
0xaa: {  	[dreg:$0x4] =	wrdreg $0xC0  }
0xab: {  	_ =	task [dreg:s6], $0x5FFFF  }
0xac: {  	[dreg:$0x1] =	wrdreg $0xFFFFFFFF  }
0xad: {  	[dreg:$0x0] =	wrdreg $0x60  }
0xae: {  	[dreg:$0x2] =	wrdreg s24  }
0xaf: {  	[dreg:$0x3] =	wrdreg $0xB1000  }
0xb0: {  	[dreg:$0x4] =	wrdreg $0x9  }
0xb1: {  	_ =	task.clear_ibuf [dreg:s6], $0x5FFFF;
	_ =	strace $0x90000049  }
0xb2: {  	s29 =	simm.s32 $0x9;
	_ =	strace $0x8000004B  }
0xb3: {  	_ =	swait.ge [sflag:s29], $0x1  }
0xb4: {  	[sflag:s29] =	ssyncadd.s32 $0xFFFFFFFF  }
0xb5: {  	_ =	strace $0x9000004B  }
0xb6: {  	_ =	sfence  }
0xb7: {  	s30 =	sld [smem:$0x0];
	_ =	sdelay $0x2  }
0xb8: {  	s31 =	sshll.u32 s1, $0xD;
	s1 =	sshrl.u32 s1, $0x2  }
0xb9: {  	s3 =	sand.u32 $0x4000, s31;
	s1 =	sadd.s32 s1, s30  }
0xba: {  	s0 =	sor.u32 s3, s0;
	s1 =	sshll.u32 s1, $0x11  }
0xbb: {  	s0 =	sor.u32 s1, s0  }
0xbc: {  	s0 =	sadd.s32 $0x8F2B, s0  }
0xbd: {  	[sflag:s0] =	ssyncadd.remote.s32 $0x1  }
0xbe: {  	_ =	sfence.sel $0xFFFF  }
0xbf: {  	[dreg:$0x0] =	wrdreg $0xFFFFFFFF;
	(pc) =	sbr.abs _section_cstart, $3  }
0xc0: {  	[dreg:$0x1] =	wrdreg $0xFFFFFFFF  }
0xc1: {  	_ =	task.clear_ibuf [dreg:s6], $0x2FFFF;
	_ =	strace $0x9FFFFFFF  }
0xc2: {  	(tm) =	ssettm $0x7FFFFFFF  }
0xc3: {  	_ =	shalt  }
tec
execute0_lowered:
.L_overlay_start_1:
0x0: {  	(tag) =	ssettag $0x1  }
0x1: {  	s0 =	rddreg [dreg:$0x0]  }
0x2: {  	s2 =	rddreg [dreg:$0x1]  }
0x3: {  	s1 =	srdreg.scid;
	s12 =	stileid.u32  }
0x4: {  	s3 =	simm.s32 $0x0;
	s10 =	simm.s32 $0x9;
	s11 =	simm.s32 $0x2880  }
0x5: {  	s14 =	simm.s32 $0x30;
	s15 =	simm.s32 $0x5100;
	s16 =	simm.s32 $0x6900  }
0x6: {  	s18 =	simm.s32 $0x8100;
	s19 =	simm.s32 $0x1;
	s21 =	simm.s32 $0x9900  }
0x7: {  	s22 =	simm.s32 $0x2;
	s23 =	simm.s32 $0x5;
	s24 =	simm.s32 $0x3  }
0x8: {  	s25 =	simm.s32 $0x6;
	s26 =	simm.s32 $0x4;
	s28 =	simm.s32 $0x7  }
0x9: {  	s29 =	simm.s32 $0x8;
	s31 =	simm.s32 $0x50A0;
	s1 =	sand.u32 $0x1, s1  }
0xa: {  	s7 =	smul.u32 $0x14000, s12;
	[smem:$0x7FF] =	sst s3;
	s30 =	sshll.u32 s12, $0x6  }
0xb: {  	s4 =	sshll.u32 s1, $0x4;
	s5 =	smul.u32 $0x140000, s1;
	s1 =	ssub.s32 $0x2, s1  }
0xc: {  	_ =	strace $0x8000004A;
	s4 =	sor.u32 s12, s4;
	s8 =	sshrl.u32 s1, $0x1  }
0xd: {  	s13 =	sadd.s32 s7, s2;
	s12 =	sor.u32 $0x1C09, s30;
	s6 =	smul.u32 $0x510, s4  }
0xe: {  	s4 =	sadd.s32 $0x16400, s0;
	s5 =	sadd.s32 s7, s5;
	s1 =	ssub.s32 s1, s8  }
0xf: {  	s7 =	sshrl.u32 s7, $0x3;
	s13 =	sshrl.u32 s13, $0x3;
	s5 =	sshrl.u32 s5, $0x3  }
0x10: {  	s7 =	sadd.s32 s4, s7;
	s9 =	smax.u32 s1, $0x1;
	s6 =	sadd.s32 s6, s0  }
0x11: {  	s1 =	simm.s32 $0x0;
	s0 =	sadd.s32 s5, s0;
	s5 =	sadd.s32 $0x2000, s6  }
0x12: {  	s6 =	sadd.s32 $0xC200, s6;
	s8 =	sadd.s32 $0x3E400, s0;
	s0 =	simm.s32 $0x50D0  }
.LBB2_1:
0x13: {  	[tilespmem:s3], [sflag:$0x9] =	stream.linear.gather [hbm4b:s5+s3], $0x2880, $0x38;
	[tilespmem:$0x1F100] =	vst v63  }
0x14: {  	_ =	swait.ge [sflag:s10], $0x2880  }
0x15: {  	[sflag:s10] =	ssyncset.done $0x0  }
0x16: {  	[sflag:s10] =	ssyncadd.s32 $0xFFFFD780  }
0x17: {  	[tilespmem:s11], [sflag:$0x9] =	stream.linear.gather [hbm4b:s6+s3], $0x2880, $0x38;
	[tilespmem:$0x1F100] =	vst v63  }
0x18: {  	_ =	swait.ge [sflag:s10], $0x2880  }
0x19: {  	[sflag:s10] =	ssyncset.done $0x0  }
0x1a: {  	[sflag:s10] =	ssyncadd.s32 $0xFFFFD780  }
0x1b: {  	[spmem:s13], [sflag:s12] =	dma.local [hbm:s7], $0x2800  }
0x1c: {  	_ =	swait.ge [sflag:s10], $0x2800  }
0x1d: {  	[sflag:s10] =	ssyncset.done $0x0  }
0x1e: {  	[sflag:s10] =	ssyncadd.s32 $0xFFFFD800  }
0x1f: {  	[bflag:$0x0] =	sbarrier.arrive $0xFFFF  }
0x20: {  	[tilespmem:s15], [sflag:$0x1] =	stream.indirect.gather [hbm4b:s4+s14], $0x80, s3, s14, $0xb8;
	[tilespmem:$0x1F100] =	vst v63  }
0x21: {  	_ = 	snop  }
0x22: {  	[tilespmem:s16], [sflag:$0x2] =	stream.indirect.gather [hbm4b:s4+s14], $0x80, s14, s14, $0xb8;
	[tilespmem:$0x1F100] =	vst v63  }
0x23: {  	s17 =	simm.s32 $0x60  }
0x24: {  	[tilespmem:s18], [sflag:$0x3] =	stream.indirect.gather [hbm4b:s4+s14], $0x80, s17, s14, $0xb8;
	[tilespmem:$0x1F100] =	vst v63  }
0x25: {  	_ =	swait.ge [sflag:s19], $0x1800  }
0x26: {  	[sflag:s19] =	ssyncset.done $0x0  }
0x27: {  	[sflag:s19] =	ssyncadd.s32 $0xFFFFE800  }
0x28: {  	[spmem:s2] =	stream.indirect.scatter.add.f32 [tilespmem:s15], [sflag:$0x5], $0x80, s11, s14, $0xb8;
	[tilespmem:$0x1F100] =	vst v63  }
0x29: {  	s20 =	simm.s32 $0x90  }
0x2a: {  	[tilespmem:s21], [sflag:$0x4] =	stream.indirect.gather [hbm4b:s4+s14], $0x80, s20, s14, $0xb8;
	[tilespmem:$0x1F100] =	vst v63  }
0x2b: {  	_ =	swait.ge [sflag:s22], $0x1800  }
0x2c: {  	[sflag:s22] =	ssyncset.done $0x0  }
0x2d: {  	s30 =	simm.s32 $0x28B0;
	[sflag:s22] =	ssyncadd.s32 $0xFFFFE800  }
0x2e: {  	[spmem:s2] =	stream.indirect.scatter.add.f32 [tilespmem:s16], [sflag:$0x6], $0x80, s30, s14, $0xb8;
	[tilespmem:$0x1F100] =	vst v63  }
0x2f: {  	_ =	swait.ge [sflag:s23], $0x1800  }
0x30: {  	[sflag:s23] =	ssyncset.done $0x0  }
0x31: {  	s20 =	simm.s32 $0xC0;
	[sflag:s23] =	ssyncadd.s32 $0xFFFFE800  }
0x32: {  	[tilespmem:s15], [sflag:$0x1] =	stream.indirect.gather [hbm4b:s4+s14], $0x80, s20, s14, $0xb8;
	[tilespmem:$0x1F100] =	vst v63  }
0x33: {  	_ =	swait.ge [sflag:s24], $0x1800  }
0x34: {  	[sflag:s24] =	ssyncset.done $0x0  }
0x35: {  	s30 =	simm.s32 $0x28E0;
	[sflag:s24] =	ssyncadd.s32 $0xFFFFE800  }
0x36: {  	[spmem:s2] =	stream.indirect.scatter.add.f32 [tilespmem:s18], [sflag:$0x7], $0x80, s30, s14, $0xb8;
	[tilespmem:$0x1F100] =	vst v63  }
0x37: {  	_ =	swait.ge [sflag:s25], $0x1800  }
0x38: {  	[sflag:s25] =	ssyncset.done $0x0  }
0x39: {  	s20 =	simm.s32 $0xF0;
	[sflag:s25] =	ssyncadd.s32 $0xFFFFE800  }
0x3a: {  	[tilespmem:s16], [sflag:$0x2] =	stream.indirect.gather [hbm4b:s4+s14], $0x80, s20, s14, $0xb8;
	[tilespmem:$0x1F100] =	vst v63  }
0x3b: {  	_ =	swait.ge [sflag:s26], $0x1800  }
0x3c: {  	[sflag:s26] =	ssyncset.done $0x0  }
0x3d: {  	s30 =	simm.s32 $0x2910;
	[sflag:s26] =	ssyncadd.s32 $0xFFFFE800  }
0x3e: {  	[spmem:s2] =	stream.indirect.scatter.add.f32 [tilespmem:s21], [sflag:$0x8], $0x80, s30, s14, $0xb8;
	[tilespmem:$0x1F100] =	vst v63  }
0x3f: {  	_ =	swait.ge [sflag:s28], $0x1800  }
0x40: {  	[sflag:s28] =	ssyncset.done $0x0  }
0x41: {  	s20 =	simm.s32 $0x120;
	[sflag:s28] =	ssyncadd.s32 $0xFFFFE800  }
0x42: {  	[tilespmem:s18], [sflag:$0x3] =	stream.indirect.gather [hbm4b:s4+s14], $0x80, s20, s14, $0xb8;
	[tilespmem:$0x1F100] =	vst v63  }
0x43: {  	_ =	swait.ge [sflag:s19], $0x1800  }
0x44: {  	[sflag:s19] =	ssyncset.done $0x0  }
0x45: {  	s30 =	simm.s32 $0x2940;
	[sflag:s19] =	ssyncadd.s32 $0xFFFFE800  }
0x46: {  	[spmem:s2] =	stream.indirect.scatter.add.f32 [tilespmem:s15], [sflag:$0x5], $0x80, s30, s14, $0xb8;
	[tilespmem:$0x1F100] =	vst v63  }
0x47: {  	_ =	swait.ge [sflag:s29], $0x1800  }
0x48: {  	[sflag:s29] =	ssyncset.done $0x0  }
0x49: {  	s17 =	simm.s32 $0x300;
	s20 =	simm.s32 $0x150;
	[sflag:s29] =	ssyncadd.s32 $0xFFFFE800  }
.LBB2_2:
0x4a: {  	[tilespmem:s21], [sflag:$0x4] =	stream.indirect.gather [hbm4b:s4+s14], $0x80, s20, s14, $0xb8;
	[tilespmem:$0x1F100] =	vst v63  }
0x4b: {  	s20 =	smov.u32 s17  }
0x4c: {  	p0 =	sne.s32 s17, $0x9C00;
	s17 =	sadd.s32 $0x300, s17;
	_ =	swait.ge [sflag:s22], $0x1800  }
0x4d: {  	s20 =	sshra.s32 s20, $0x2;
	[sflag:s22] =	ssyncset.done $0x0  }
0x4e: {  	s30 =	sadd.s32 $0x28B0, s20;
	[sflag:s22] =	ssyncadd.s32 $0xFFFFE800  }
0x4f: {  	[spmem:s2] =	stream.indirect.scatter.add.f32 [tilespmem:s16], [sflag:$0x6], $0x80, s30, s14, $0xb8;
	[tilespmem:$0x1F100] =	vst v63  }
0x50: {  	_ =	swait.ge [sflag:s23], $0x1800  }
0x51: {  	[sflag:s23] =	ssyncset.done $0x0  }
0x52: {  	s30 =	sadd.s32 $0xC0, s20;
	[sflag:s23] =	ssyncadd.s32 $0xFFFFE800  }
0x53: {  	[tilespmem:s15], [sflag:$0x1] =	stream.indirect.gather [hbm4b:s4+s14], $0x80, s30, s14, $0xb8;
	[tilespmem:$0x1F100] =	vst v63  }
0x54: {  	_ =	swait.ge [sflag:s24], $0x1800  }
0x55: {  	[sflag:s24] =	ssyncset.done $0x0  }
0x56: {  	s30 =	sadd.s32 $0x28E0, s20;
	[sflag:s24] =	ssyncadd.s32 $0xFFFFE800  }
0x57: {  	[spmem:s2] =	stream.indirect.scatter.add.f32 [tilespmem:s18], [sflag:$0x7], $0x80, s30, s14, $0xb8;
	[tilespmem:$0x1F100] =	vst v63  }
0x58: {  	_ =	swait.ge [sflag:s25], $0x1800  }
0x59: {  	[sflag:s25] =	ssyncset.done $0x0  }
0x5a: {  	s30 =	sadd.s32 $0xF0, s20;
	[sflag:s25] =	ssyncadd.s32 $0xFFFFE800  }
0x5b: {  	[tilespmem:s16], [sflag:$0x2] =	stream.indirect.gather [hbm4b:s4+s14], $0x80, s30, s14, $0xb8;
	[tilespmem:$0x1F100] =	vst v63  }
0x5c: {  	_ =	swait.ge [sflag:s26], $0x1800  }
0x5d: {  	[sflag:s26] =	ssyncset.done $0x0  }
0x5e: {  	s30 =	sadd.s32 $0x2910, s20;
	[sflag:s26] =	ssyncadd.s32 $0xFFFFE800  }
0x5f: {  	[spmem:s2] =	stream.indirect.scatter.add.f32 [tilespmem:s21], [sflag:$0x8], $0x80, s30, s14, $0xb8;
	[tilespmem:$0x1F100] =	vst v63  }
0x60: {  	_ =	swait.ge [sflag:s28], $0x1800  }
0x61: {  	[sflag:s28] =	ssyncset.done $0x0  }
0x62: {  	s30 =	sadd.s32 $0x120, s20;
	[sflag:s28] =	ssyncadd.s32 $0xFFFFE800  }
0x63: {  	[tilespmem:s18], [sflag:$0x3] =	stream.indirect.gather [hbm4b:s4+s14], $0x80, s30, s14, $0xb8;
	[tilespmem:$0x1F100] =	vst v63  }
0x64: {  	_ =	swait.ge [sflag:s19], $0x1800  }
0x65: {  	[sflag:s19] =	ssyncset.done $0x0  }
.Ltmp0:
0x66: {  	s30 =	sadd.s32 $0x2940, s20;
	[sflag:s19] =	ssyncadd.s32 $0xFFFFE800;
	(pc) =	sbr.rel @p0 .LBB2_2-.Ltmp0, $4  }
0x67: {  	[spmem:s2] =	stream.indirect.scatter.add.f32 [tilespmem:s15], [sflag:$0x5], $0x80, s30, s14, $0xb8;
	[tilespmem:$0x1F100] =	vst v63  }
0x68: {  	_ =	swait.ge [sflag:s29], $0x1800  }
0x69: {  	[sflag:s29] =	ssyncset.done $0x0  }
0x6a: {  	s20 =	sadd.s32 $0x150, s20;
	[sflag:s29] =	ssyncadd.s32 $0xFFFFE800  }
0x6b: {  	[tilespmem:s21], [sflag:$0x4] =	stream.indirect.gather [hbm4b:s4+s14], $0x80, s20, s14, $0xb8;
	[tilespmem:$0x1F100] =	vst v63  }
0x6c: {  	_ =	swait.ge [sflag:s22], $0x1800  }
0x6d: {  	[sflag:s22] =	ssyncset.done $0x0  }
0x6e: {  	s17 =	simm.s32 $0x5070;
	[sflag:s22] =	ssyncadd.s32 $0xFFFFE800  }
0x6f: {  	[spmem:s2] =	stream.indirect.scatter.add.f32 [tilespmem:s16], [sflag:$0x6], $0x80, s17, s14, $0xb8;
	[tilespmem:$0x1F100] =	vst v63  }
0x70: {  	_ =	swait.ge [sflag:s24], $0x1800  }
0x71: {  	[sflag:s24] =	ssyncset.done $0x0  }
0x72: {  	[sflag:s24] =	ssyncadd.s32 $0xFFFFE800  }
0x73: {  	[spmem:s2] =	stream.indirect.scatter.add.f32 [tilespmem:s18], [sflag:$0x7], $0x80, s31, s14, $0xb8;
	[tilespmem:$0x1F100] =	vst v63  }
0x74: {  	_ =	swait.ge [sflag:s26], $0x1800  }
0x75: {  	[sflag:s26] =	ssyncset.done $0x0  }
0x76: {  	[sflag:s26] =	ssyncadd.s32 $0xFFFFE800  }
0x77: {  	[spmem:s2] =	stream.indirect.scatter.add.f32 [tilespmem:s21], [sflag:$0x8], $0x80, s0, s14, $0xb8;
	[tilespmem:$0x1F100] =	vst v63  }
0x78: {  	_ =	swait.ge [sflag:s23], $0x1800  }
0x79: {  	[sflag:s23] =	ssyncset.done $0x0  }
0x7a: {  	[sflag:s23] =	ssyncadd.s32 $0xFFFFE800  }
0x7b: {  	_ =	swait.ge [sflag:s25], $0x1800  }
0x7c: {  	[sflag:s25] =	ssyncset.done $0x0  }
0x7d: {  	[sflag:s25] =	ssyncadd.s32 $0xFFFFE800  }
0x7e: {  	_ =	swait.ge [sflag:s28], $0x1800  }
0x7f: {  	[sflag:s28] =	ssyncset.done $0x0  }
0x80: {  	[sflag:s28] =	ssyncadd.s32 $0xFFFFE800  }
0x81: {  	_ =	swait.ge [sflag:s29], $0x1800  }
0x82: {  	s1 =	sadd.s32 $0x1, s1;
	[sflag:s29] =	ssyncset.done $0x0  }
0x83: {  	p0 =	sne.s32 s1, s9;
	[sflag:s29] =	ssyncadd.s32 $0xFFFFE800  }
.Ltmp1:
0x84: {  	[bflag:$0x0] =	sbarrier.arrive $0xFFFF;
	(pc) =	sbr.rel @p0 .LBB2_1-.Ltmp1, $4  }
0x85: {  	[hbm:s8], [sflag:s12] =	dma.local [spmem:s13], $0x2800  }
0x86: {  	_ =	swait.ge [sflag:s10], $0x2800  }
0x87: {  	[sflag:s10] =	ssyncset.done $0x0  }
0x88: {  	[sflag:s10] =	ssyncadd.s32 $0xFFFFD800  }
0x89: {  	_ =	sfence.sel $0x180000  }
0x8a: {  	[bflag:$0x0] =	sbarrier.arrive $0xFFFF  }
0x8b: {  	_ =	strace $0x9000004A  }
0x8c: {  	s0 =	stileid.u32;
	[bflag:$0x2] =	sbarrier.arrive $0xFFFF  }
0x8d: {  	p0 =	sne.s32 s0, $0x0;
	s0 =	rddreg [dreg:$0x2]  }
0x8e: {  	s0 =	sadd.s32 @!p0 $0x100000, s0  }
0x8f: {  	[sflag:s0] =	ssyncadd.tile.s32 @!p0 $0x1;
	_ =	shalt  }
.Lfunc_end2:
_tile_overlayer_lowered:
.L_overlay_start_2:
0x90: {  	(tag) =	ssettag $0x2  }
0x91: {  	s0 =	rddreg [dreg:$0x0];
	s2 =	stileid.u32  }
0x92: {  	s1 =	rddreg [dreg:$0x1];
	p0 =	sne.s32 s2, $0x0  }
0x93: {  	s3 =	rddreg [dreg:$0x2];
	[bflag:$0x3] =	sbarrier.arrive $0xFFFF;
	s2 =	simm.s32 @!p0 $0x1C09  }
0x94: {  	[timem:s3], [sflag:s2] =	dma.local @!p0 [hbm:s0], s1  }
0x95: {  	s0 =	simm.s32 @!p0 $0x9  }
0x96: {  	_ =	swait.ge @!p0 [sflag:s0], s1  }
0x97: {  	s1 =	ssub.s32 @!p0 $0x0, s1;
	[sflag:s0] =	ssyncset.done @!p0 $0x0  }
0x98: {  	[sflag:s0] =	ssyncadd.s32 @!p0 s1  }
0x99: {  	[bflag:$0x3] =	sbarrier.arrive $0xFFFF  }
0x9a: {  	_ =	shalt  }

// kernel: kernel.15.cloned.1.call-start
scs
__scs_entry_jumppad:
0x0: {  	(pc) =	sbr.rel $0x88, $3  }
0x1: {  	(tag) =	ssettag $0x0;
	lr =	simm.s32 $0x1  }
0x2: {  	[smem:$0x3F9B] =	sst lr;
	_ =	strace $0xD0000000  }
0x3: {  	_ = 	snop  }
0x4: {  	_ = 	snop  }
0x5: {  	_ = 	snop  }
0x6: {  	_ = 	snop  }
0x7: {  	_ = 	snop  }
__scs_overlays_trampoline_lowered:
0x8: {  	[smem:$0x3FAA] =	sst s0  }
0x9: {  	[smem:$0x3FAB] =	sst s1  }
0xa: {  	[smem:$0x3FAC] =	sst s2  }
0xb: {  	[smem:$0x3FAD] =	sst s3  }
0xc: {  	[smem:$0x3FAE] =	sst s4  }
0xd: {  	[smem:$0x3FAF] =	sst s5  }
0xe: {  	[smem:$0x3FB0] =	sst s6  }
0xf: {  	[smem:$0x3FB1] =	sst s7  }
0x10: {  	[smem:$0x3FB2] =	sst s8  }
0x11: {  	[smem:$0x3FB3] =	sst s9;
	s0 =	simm.s32 @!p0 $0x0  }
0x12: {  	s1 =	sld [smem:$0x3F99];
	s0 =	simm.s32 @p0 $0x1  }
0x13: {  	[smem:$0x3FB4] =	sst s0;
	s0 =	simm.s32 @!p1 $0x0  }
0x14: {  	s2 =	sld [smem:$0x3F98];
	s0 =	simm.s32 @p1 $0x1  }
0x15: {  	[smem:$0x3FB5] =	sst s0;
	s0 =	simm.s32 @!p2 $0x0  }
0x16: {  	s3 =	sld [smem:$0x3FDB];
	s0 =	simm.s32 @p2 $0x1  }
0x17: {  	s4 =	simm.s32 $0x1BF5;
	[smem:$0x3FB7] =	sst s0  }
0x18: {  	s0 =	sld [smem:$0x3F9A];
	_ =	swait.ge [sflag:s4], $0x0  }
0x19: {  	s7 =	sld [smem:$0x3F9B]  }
0x1a: {  	s8 =	sadd.s32 $0xFFFFE003, lr  }
0x1b: {  	s9 =	sadd.s32 $0xFFFFFEF7, lr;
	s5 =	simm.s32 $0xFFFFFFFF;
	p2 =	slt.u32 s8, $0xFFFFF086  }
0x1c: {  	p1 =	slt.u32 s9, $0xF7A;
	s5 =	simm.s32 @!p2 $0x0  }
0x1d: {  	s5 =	simm.s32 @p1 $0x1;
	p0 =	seq.s32 s7, s2  }
0x1e: {  	s7 =	smul.u32 @!p0 $0xF7A, s2;
	p2 =	seq.s32 @!p0 s5, $0x0  }
0x1f: {  	s9 =	smul.u32 $0xF7A, s1;
	s8 =	simm.s32 @!p0 $0x1BF5;
	p2 =	por !p2, p0  }
0x20: {  	[sflag:s8] =	ssyncset.s32 @!p0 $0xFFFFF086;
	s6 =	sadd.s32 @!p0 s3, s7;
	s7 =	simm.s32 @!p0 $0x108  }
0x21: {  	s3 =	sadd.s32 s3, s9;
	s6 =	sadd.s32 @!p0 $0x88, s6;
	s7 =	simm.s32 @p2 $0x1082  }
0x22: {  	[simem:s7], [sflag:s8] =	dma.local @!p0 [hbm:s6], $0xF7A  }
0x23: {  	s9 =	sor.u32 $0xD0000000, s2;
	s6 =	simm.s32 $0x108;
	_ =	swait.ge @!p0 [sflag:s8], $0x0  }
0x24: {  	s3 =	sadd.s32 $0x88, s3;
	s6 =	simm.s32 @!p1 $0x1082;
	[sflag:s4] =	ssyncset.s32 $0xFFFFF086  }
0x25: {  	[simem:s6], [sflag:s4] =	dma.local [hbm:s3], $0xF7A  }
0x26: {  	[smem:$0x3F9B] =	sst s1;
	(tag) =	ssettag s2;
	_ =	strace s9  }
0x27: {  	s1 =	sld [smem:$0x3FAB]  }
0x28: {  	s2 =	sld [smem:$0x3FAC]  }
0x29: {  	s4 =	sld [smem:$0x3FAE]  }
0x2a: {  	p0 =	seq.s32 s5, $0x0;
	s5 =	sld [smem:$0x3FAF]  }
0x2b: {  	s6 =	sld [smem:$0x3FB0]  }
0x2c: {  	s7 =	sld [smem:$0x3FB1]  }
0x2d: {  	s3 =	simm.s32 $0x108;
	s8 =	sld [smem:$0x3FB2]  }
0x2e: {  	s3 =	simm.s32 @!p0 $0x1082;
	s9 =	sld [smem:$0x3FB3]  }
0x2f: {  	lr =	sadd.s32 s0, s3;
	s0 =	sld [smem:$0x3FAA]  }
0x30: {  	s3 =	sld [smem:$0x3FAD]  }
0x31: {  	[smem:$0x3FB6] =	sst s10  }
0x32: {  	s10 =	sld [smem:$0x3FB4];
	_ =	sdelay $0x3  }
0x33: {  	p0 =	seq.s32 s10, $0x1;
	s10 =	sld [smem:$0x3FB6];
	_ =	sdelay $0x3  }
0x34: {  	[smem:$0x3FB6] =	sst s10  }
0x35: {  	s10 =	sld [smem:$0x3FB5];
	_ =	sdelay $0x3  }
0x36: {  	p1 =	seq.s32 s10, $0x1;
	s10 =	sld [smem:$0x3FB6];
	_ =	sdelay $0x3  }
0x37: {  	[smem:$0x3FB6] =	sst s10  }
0x38: {  	s10 =	sld [smem:$0x3FB7]  }
0x39: {  	_ = 	snop;
	(pc) =	sbr.ind lr, $3  }
0x3a: {  	_ = 	snop  }
0x3b: {  	_ = 	snop  }
0x3c: {  	p2 =	seq.s32 s10, $0x1;
	s10 =	sld [smem:$0x3FB6]  }
0x3d: {  	_ =	shalt  }
0x3e: {  	_ =	shalt  }
0x3f: {  	_ =	shalt  }
0x40: {  	_ =	shalt  }
0x41: {  	_ =	shalt  }
0x42: {  	_ =	shalt  }
0x43: {  	_ =	shalt  }
0x44: {  	_ =	shalt  }
0x45: {  	_ =	shalt  }
0x46: {  	_ =	shalt  }
0x47: {  	_ =	shalt  }
0x48: {  	_ =	shalt  }
0x49: {  	_ =	shalt  }
0x4a: {  	_ =	shalt  }
0x4b: {  	_ =	shalt  }
0x4c: {  	_ =	shalt  }
0x4d: {  	_ =	shalt  }
0x4e: {  	_ =	shalt  }
0x4f: {  	_ =	shalt  }
0x50: {  	_ =	shalt  }
0x51: {  	_ =	shalt  }
0x52: {  	_ =	shalt  }
0x53: {  	_ =	shalt  }
0x54: {  	_ =	shalt  }
0x55: {  	_ =	shalt  }
0x56: {  	_ =	shalt  }
0x57: {  	_ =	shalt  }
0x58: {  	_ =	shalt  }
0x59: {  	_ =	shalt  }
0x5a: {  	_ =	shalt  }
0x5b: {  	_ =	shalt  }
0x5c: {  	_ =	shalt  }
0x5d: {  	_ =	shalt  }
0x5e: {  	_ =	shalt  }
0x5f: {  	_ =	shalt  }
0x60: {  	_ =	shalt  }
0x61: {  	_ =	shalt  }
0x62: {  	_ =	shalt  }
0x63: {  	_ =	shalt  }
0x64: {  	_ =	shalt  }
0x65: {  	_ =	shalt  }
0x66: {  	_ =	shalt  }
0x67: {  	_ =	shalt  }
0x68: {  	_ =	shalt  }
0x69: {  	_ =	shalt  }
0x6a: {  	_ =	shalt  }
0x6b: {  	_ =	shalt  }
0x6c: {  	_ =	shalt  }
0x6d: {  	_ =	shalt  }
0x6e: {  	_ =	shalt  }
0x6f: {  	_ =	shalt  }
0x70: {  	_ =	shalt  }
0x71: {  	_ =	shalt  }
0x72: {  	_ =	shalt  }
0x73: {  	_ =	shalt  }
0x74: {  	_ =	shalt  }
0x75: {  	_ =	shalt  }
0x76: {  	_ =	shalt  }
0x77: {  	_ =	shalt  }
0x78: {  	_ =	shalt  }
0x79: {  	_ =	shalt  }
0x7a: {  	_ =	shalt  }
0x7b: {  	_ =	shalt  }
0x7c: {  	_ =	shalt  }
0x7d: {  	_ =	shalt  }
0x7e: {  	_ =	shalt  }
0x7f: {  	_ =	shalt  }
0x80: {  	_ =	shalt  }
0x81: {  	_ =	shalt  }
0x82: {  	_ =	shalt  }
0x83: {  	_ =	shalt  }
0x84: {  	_ =	shalt  }
0x85: {  	_ =	shalt  }
0x86: {  	_ =	shalt  }
0x87: {  	_ =	shalt  }
.Lfunc_end0:
.L_simem_size_0:
called_computation.2_lowered:
.L_overlay_start_0:
0x88: {  	s2 =	sld [smem:$0x3FD9]  }
0x89: {  	s3 =	sld [smem:$0x3FFE];
	_ =	sdelay $0x1  }
0x8a: {  	s1 =	srdreg.scid  }
0x8b: {  	s0 =	sand.u32 $0x1, s1  }
0x8c: {  	s16 =	sshll.u32 s0, $0xA;
	s2 =	sadd.s32 s3, s2  }
0x8d: {  	s2 =	sadd.s32 s2, s16  }
0x8e: {  	[smem:$0x3FC2] =	sst s2  }
0x8f: {  	_ = 	snop  }
0x90: {  	(tm) =	ssettm $0x1  }
0x91: {  	s17 =	sld [smem:$0x3FFB];
	_ =	sdelay $0x3  }
0x92: {  	_ =	strace s17  }
0x93: {  	s2 =	sld [smem:$0x3FFC];
	_ =	sdelay $0x3  }
0x94: {  	_ =	strace s2  }
0x95: {  	s2 =	sld [smem:$0x3FFD];
	_ =	sdelay $0x3  }
0x96: {  	_ =	strace s2  }
0x97: {  	_ =	strace $0x8FFFFFFF  }
0x98: {  	s18 =	sld [smem:$0x3FDB];
	_ =	sdelay $0x1  }
0x99: {  	s19 =	simm.s32 $_scs_section_size  }
0x9a: {  	s4 =	simm.s32 $_size__tile_overlayer_lowered;
	s5 =	simm.s32 $_tile_overlayer_lowered  }
0x9b: {  	s22 =	simm.s32 $0x1BFF;
	s21 =	sshll.u32 s5, $0x1;
	s2 =	sadd.s32 s19, s18  }
0x9c: {  	s6 =	simm.s32 $0x0;
	s20 =	sshll.u32 s4, $0x1;
	s4 =	sadd.s32 s21, s2  }
0x9d: {  	[timem:s6], [sflag:s22] =	dma.local [hbm:s4], s20  }
0x9e: {  	_ =	swait.ge [sflag:s22], s20  }
0x9f: {  	s3 =	ssub.s32 $0x0, s20;
	[sflag:s22] =	ssyncset.done $0x0  }
0xa0: {  	[sflag:s22] =	ssyncadd.s32 s3;
	_ =	sdelay $0x1  }
0xa1: {  	s23 =	simm.s32 $0x1B8B  }
0xa2: {  	_ =	swait.ge [sflag:s23], $0x1  }
0xa3: {  	[sflag:s23] =	ssyncset.done $0x0  }
0xa4: {  	s25 =	simm.s32 $0x1B8E;
	s24 =	sld [smem:$0x3FFE];
	[sflag:s23] =	ssyncadd.s32 $0xFFFFFFFF  }
0xa5: {  	s26 =	simm.s32 $execute0_lowered;
	[smem:$0x3FD2] =	sst s25  }
0xa6: {  	s4 =	sshll.u32 s26, $0x1;
	_ =	strace $0x8000004C;
	[dreg:$0x1] =	wrdreg $0xFFFFFFFF  }
0xa7: {  	s28 =	simm.s32 $_size_execute0_lowered;
	s2 =	sadd.s32 s2, s4;
	[dreg:$0x0] =	wrdreg $0x0  }
0xa8: {  	s4 =	sshll.u32 s28, $0x1;
	[dreg:$0x2] =	wrdreg s2  }
0xa9: {  	[dreg:$0x3] =	wrdreg s4  }
0xaa: {  	[dreg:$0x4] =	wrdreg $0xC0  }
0xab: {  	_ =	task [dreg:s6], $0x5FFFF  }
0xac: {  	[dreg:$0x1] =	wrdreg $0xFFFFFFFF  }
0xad: {  	[dreg:$0x0] =	wrdreg $0x60  }
0xae: {  	[dreg:$0x2] =	wrdreg s24  }
0xaf: {  	[dreg:$0x3] =	wrdreg $0x146000  }
0xb0: {  	[dreg:$0x4] =	wrdreg $0x9  }
0xb1: {  	_ =	task.clear_ibuf [dreg:s6], $0x5FFFF;
	_ =	strace $0x9000004C  }
0xb2: {  	s29 =	simm.s32 $0x9;
	_ =	strace $0x8000004E  }
0xb3: {  	_ =	swait.ge [sflag:s29], $0x1  }
0xb4: {  	[sflag:s29] =	ssyncadd.s32 $0xFFFFFFFF  }
0xb5: {  	_ =	strace $0x9000004E  }
0xb6: {  	_ =	sfence  }
0xb7: {  	s30 =	sld [smem:$0x0];
	_ =	sdelay $0x2  }
0xb8: {  	s31 =	sshll.u32 s1, $0xD;
	s1 =	sshrl.u32 s1, $0x2  }
0xb9: {  	s3 =	sand.u32 $0x4000, s31;
	s1 =	sadd.s32 s1, s30  }
0xba: {  	s0 =	sor.u32 s3, s0;
	s1 =	sshll.u32 s1, $0x11  }
0xbb: {  	s0 =	sor.u32 s1, s0  }
0xbc: {  	s0 =	sadd.s32 $0x8F2B, s0  }
0xbd: {  	[sflag:s0] =	ssyncadd.remote.s32 $0x1  }
0xbe: {  	_ =	sfence.sel $0xFFFF  }
0xbf: {  	[dreg:$0x0] =	wrdreg $0xFFFFFFFF;
	(pc) =	sbr.abs _section_cstart, $3  }
0xc0: {  	[dreg:$0x1] =	wrdreg $0xFFFFFFFF  }
0xc1: {  	_ =	task.clear_ibuf [dreg:s6], $0x2FFFF;
	_ =	strace $0x9FFFFFFF  }
0xc2: {  	(tm) =	ssettm $0x7FFFFFFF  }
0xc3: {  	_ =	shalt  }
tec
execute0_lowered:
.L_overlay_start_1:
0x0: {  	(tag) =	ssettag $0x1  }
0x1: {  	s4 =	rddreg [dreg:$0x0]  }
0x2: {  	s7 =	rddreg [dreg:$0x1];
	s2 =	srdreg.scid  }
0x3: {  	s0 =	rddreg [dreg:$0x2];
	s1 =	stileid.u32;
	s12 =	simm.s32 $0x1  }
0x4: {  	s13 =	simm.s32 $0x2;
	s14 =	simm.s32 $0x3;
	s15 =	simm.s32 $0xA100  }
0x5: {  	s16 =	simm.s32 $0x4;
	s17 =	simm.s32 $0x500;
	s18 =	simm.s32 $0x5000  }
0x6: {  	s19 =	simm.s32 $0xF100;
	s20 =	simm.s32 $0x14100;
	s21 =	simm.s32 $0x0  }
0x7: {  	s5 =	sand.u32 $0x1, s2;
	s2 =	simm.s32 $0x0;
	s8 =	smul.u32 $0x500, s1  }
0x8: {  	s10 =	smul.u32 $0x14000, s1;
	s3 =	sshll.u32 s5, $0x4;
	[smem:$0x7FF] =	sst s2  }
0x9: {  	s9 =	smul.u32 $0x5000, s5;
	s5 =	ssub.s32 $0x2, s5;
	s6 =	sor.u32 s1, s3  }
0xa: {  	_ =	strace $0x8000004D;
	s3 =	sadd.s32 $0x16400, s4;
	s6 =	smul.u32 $0x510, s6  }
0xb: {  	s11 =	sshrl.u32 s5, $0x1;
	s10 =	sshrl.u32 s10, $0x2;
	s9 =	sadd.s32 s8, s9  }
0xc: {  	s11 =	ssub.s32 s5, s11;
	s9 =	sshrl.u32 s9, $0x3;
	s6 =	sadd.s32 s6, s4  }
0xd: {  	s9 =	sadd.s32 s9, s4;
	s4 =	sadd.s32 $0x2000, s6;
	s5 =	sadd.s32 $0xC200, s6  }
0xe: {  	s6 =	sadd.s32 s10, s7;
	s7 =	sadd.s32 s8, s7;
	s8 =	sadd.s32 $0x16E00, s9  }
0xf: {  	v0 =	vimm.f32 $0.0e+00;
	s9 =	smax.u32 s11, $0x1;
	s10 =	simm.s32 $0x2880;
	s11 =	simm.s32 $0x5100  }
.LBB2_1:
0x10: {  	[tilespmem:s2], [sflag:$0x1] =	stream.linear.gather [hbm4b:s4+s2], $0x2880, $0x38;
	[tilespmem:$0x19600] =	vst v63  }
0x11: {  	_ = 	snop  }
0x12: {  	[tilespmem:s10], [sflag:$0x2] =	stream.linear.gather [hbm4b:s5+s2], $0x2880, $0x38;
	[tilespmem:$0x19600] =	vst v63  }
0x13: {  	s22 =	simm.s32 $0x40;
	s23 =	simm.s32 $0x0  }
0x14: {  	[tilespmem:s11], [sflag:$0x3] =	stream.linear.gather [hbm4b:s3+s2], $0x5000, $0x38;
	[tilespmem:$0x19600] =	vst v63  }
.LBB2_2:
0x15: {  	p0 =	sne.s32 s22, $0x13FC0;
	[tilespmem:s23+$0xA100] =	vst v0;
	s23 =	smov.u32 s22;
	s22 =	sadd.s32 $0x40, s22  }
.Ltmp0:
0x16: {  	(pc) =	sbr.rel @p0 .LBB2_2-.Ltmp0, $2  }
0x17: {  	_ =	sdelay $0x2  }
0x18: {  	s23 =	sshra.s32 s23, $0x2  }
0x19: {  	[tilespmem:s23+$0xA100] =	vst v0  }
0x1a: {  	_ =	swait.ge [sflag:s12], $0x2880  }
0x1b: {  	[sflag:s12] =	ssyncset.done $0x0  }
0x1c: {  	[sflag:s12] =	ssyncadd.s32 $0xFFFFD780  }
0x1d: {  	_ =	swait.ge [sflag:s13], $0x2880  }
0x1e: {  	[sflag:s13] =	ssyncset.done $0x0  }
0x1f: {  	[sflag:s13] =	ssyncadd.s32 $0xFFFFD780  }
0x20: {  	_ =	swait.ge [sflag:s14], $0x5000  }
0x21: {  	[sflag:s14] =	ssyncset.done $0x0  }
0x22: {  	s23 =	simm.s32 $0x0;
	s22 =	simm.s32 $0x40;
	[sflag:s14] =	ssyncadd.s32 $0xFFFFB000  }
.LBB2_4:
0x23: {  	p0 =	sne.s32 s22, $0xA1C0;
	v1 =	vld [tilespmem:s23+$0x0];
	_ =	sdelay $0x4  }
0x24: {  	v1 =	vshll.u32 v1, $0x1  }
0x25: {  	v2 =	vld [tilespmem:s23+$0x2880];
	v3 =	vor.u32 $0x1, v1;
	_ =	sdelay $0x3  }
0x26: {  	v1 =	vld.idx.msk [tilespmem:v1+s11+$0x0], $0xffff  }
0x27: {  	v2 =	vshll.u32 v2, $0x1;
	v3 =	vld.idx.msk [tilespmem:v3+s11+$0x0], $0xffff  }
0x28: {  	v4 =	vor.u32 $0x1, v2  }
.Ltmp1:
0x29: {  	(pc) =	sbr.rel @p0 .LBB2_4-.Ltmp1, $3  }
0x2a: {  	_ =	sdelay $0x1  }
0x2b: {  	[tilespmem:v2+s15+$0x0] =	vst.idx.add.f32.msk $0xffff, v1  }
0x2c: {  	s23 =	sshra.s32 s22, $0x2;
	s22 =	sadd.s32 $0x40, s22;
	[tilespmem:v4+s15+$0x0] =	vst.idx.add.f32.msk $0xffff, v3  }
0x2d: {  	v1 =	vld [tilespmem:s23+$0x0];
	_ =	sdelay $0x4  }
0x2e: {  	v2 =	vld [tilespmem:s23+$0x2880];
	v1 =	vshll.u32 v1, $0x1  }
0x2f: {  	v3 =	vor.u32 $0x1, v1;
	_ =	sdelay $0x3  }
0x30: {  	v2 =	vshll.u32 v2, $0x1;
	v1 =	vld.idx.msk [tilespmem:v1+s11+$0x0], $0xffff  }
0x31: {  	v4 =	vor.u32 $0x1, v2;
	v3 =	vld.idx.msk [tilespmem:v3+s11+$0x0], $0xffff;
	_ =	sdelay $0x3  }
0x32: {  	[tilespmem:v2+s15+$0x0] =	vst.idx.add.f32.msk $0xffff, v1  }
0x33: {  	[tilespmem:v4+s15+$0x0] =	vst.idx.add.f32.msk $0xffff, v3  }
0x34: {  	[spmem:s6] =	stream.linear.scatter [tilespmem:s15], [sflag:$0x4], $0x5000, $0x38;
	[tilespmem:$0x19600] =	vst v63  }
0x35: {  	_ =	swait.ge [sflag:s16], $0x5000  }
0x36: {  	[sflag:s16] =	ssyncset.done $0x0  }
0x37: {  	[sflag:s16] =	ssyncadd.s32 $0xFFFFB000  }
0x38: {  	[bflag:$0x0] =	sbarrier.arrive $0xFFFF  }
0x39: {  	[tilespmem:s19], [sflag:$0x4] =	stream.strided.gather [spmem:s7], $0x5000, s18, s17, $0x38;
	[tilespmem:$0x19600] =	vst v63  }
0x3a: {  	_ =	swait.ge [sflag:s16], $0x5000  }
0x3b: {  	[sflag:s16] =	ssyncset.done $0x0  }
0x3c: {  	s23 =	simm.s32 $0x0;
	[sflag:s16] =	ssyncadd.s32 $0xFFFFB000  }
0x3d: {  	v1 =	vld [tilespmem:s23+$0xF100]  }
0x3e: {  	v2 =	vld [tilespmem:s23+$0xF600];
	_ =	sdelay $0x1  }
0x3f: {  	v3 =	vld [tilespmem:s23+$0xFB00];
	_ =	sdelay $0x1  }
0x40: {  	v4 =	vld [tilespmem:s23+$0x10000]  }
0x41: {  	v1 =	vadd.f32 v2, v1  }
0x42: {  	v2 =	vld [tilespmem:s23+$0x10500]  }
0x43: {  	v1 =	vadd.f32 v3, v1  }
0x44: {  	v3 =	vld [tilespmem:s23+$0x10A00]  }
0x45: {  	v1 =	vadd.f32 v4, v1  }
0x46: {  	v4 =	vld [tilespmem:s23+$0x10F00]  }
0x47: {  	v1 =	vadd.f32 v2, v1  }
0x48: {  	v2 =	vld [tilespmem:s23+$0x11400]  }
0x49: {  	s22 =	simm.s32 $0x10;
	v5 =	vld [tilespmem:s23+$0x11900];
	v1 =	vadd.f32 v3, v1  }
0x4a: {  	v6 =	vld [tilespmem:s22+$0xF100]  }
0x4b: {  	v3 =	vld [tilespmem:s23+$0x11E00];
	v1 =	vadd.f32 v4, v1  }
0x4c: {  	v4 =	vld [tilespmem:s22+$0xF600]  }
0x4d: {  	v7 =	vld [tilespmem:s22+$0xFB00];
	v1 =	vadd.f32 v2, v1  }
0x4e: {  	v2 =	vld [tilespmem:s23+$0x12300]  }
0x4f: {  	v8 =	vld [tilespmem:s22+$0x10000];
	v1 =	vadd.f32 v5, v1  }
0x50: {  	v5 =	vld [tilespmem:s23+$0x12800]  }
0x51: {  	v4 =	vadd.f32 v4, v6;
	v6 =	vld [tilespmem:s22+$0x10500];
	v1 =	vadd.f32 v3, v1  }
0x52: {  	v3 =	vld [tilespmem:s23+$0x12D00]  }
0x53: {  	v4 =	vadd.f32 v7, v4;
	v7 =	vld [tilespmem:s22+$0x10A00];
	v1 =	vadd.f32 v2, v1  }
0x54: {  	v2 =	vld [tilespmem:s23+$0x13200]  }
0x55: {  	v9 =	vld [tilespmem:s22+$0x10F00];
	v4 =	vadd.f32 v8, v4;
	v1 =	vadd.f32 v5, v1  }
0x56: {  	v8 =	vld [tilespmem:s23+$0x13700]  }
0x57: {  	v5 =	vadd.f32 v6, v4;
	v4 =	vld [tilespmem:s22+$0x11400];
	v6 =	vadd.f32 v3, v1  }
0x58: {  	v3 =	vld [tilespmem:s23+$0x13C00]  }
0x59: {  	v1 =	vld [tilespmem:s22+$0x11E00];
	v7 =	vadd.f32 v7, v5;
	v10 =	vadd.f32 v2, v6  }
0x5a: {  	s24 =	simm.s32 $0x20;
	v5 =	vld [tilespmem:s22+$0x11900]  }
0x5b: {  	s25 =	simm.s32 $0xC0;
	v2 =	vld [tilespmem:s24+$0xF100];
	v6 =	vadd.f32 v9, v7;
	v7 =	vadd.f32 v8, v10  }
.LBB2_6:
0x5c: {  	p0 =	sne.s32 s25, $0x13C0;
	v8 =	vld [tilespmem:s24+$0xF600]  }
0x5d: {  	v4 =	vadd.f32 v4, v6;
	v6 =	vld [tilespmem:s22+$0x12300];
	v3 =	vadd.f32 v3, v7  }
0x5e: {  	v7 =	vld [tilespmem:s24+$0xFB00]  }
0x5f: {  	v4 =	vadd.f32 v5, v4;
	v5 =	vld [tilespmem:s22+$0x12800];
	[tilespmem:s23+$0x14100] =	vst v3;
	s23 =	smov.u32 s22;
	s22 =	smov.u32 s24  }
0x60: {  	v3 =	vld [tilespmem:s22+$0x10000]  }
0x61: {  	v2 =	vadd.f32 v8, v2;
	v1 =	vadd.f32 v1, v4;
	v4 =	vld [tilespmem:s23+$0x12D00]  }
0x62: {  	v8 =	vld [tilespmem:s22+$0x10500]  }
0x63: {  	v2 =	vadd.f32 v7, v2;
	v1 =	vadd.f32 v6, v1;
	v6 =	vld [tilespmem:s23+$0x13200]  }
0x64: {  	v7 =	vld [tilespmem:s22+$0x10A00]  }
0x65: {  	v2 =	vadd.f32 v3, v2;
	v1 =	vadd.f32 v5, v1;
	v9 =	vld [tilespmem:s23+$0x13700]  }
0x66: {  	v10 =	vld [tilespmem:s22+$0x10F00]  }
.Ltmp2:
0x67: {  	v2 =	vadd.f32 v8, v2;
	v5 =	vadd.f32 v4, v1;
	v3 =	vld [tilespmem:s23+$0x13C00];
	(pc) =	sbr.rel @p0 .LBB2_6-.Ltmp2, $4  }
0x68: {  	v4 =	vld [tilespmem:s22+$0x11400]  }
0x69: {  	v7 =	vadd.f32 v7, v2;
	v1 =	vld [tilespmem:s22+$0x11E00];
	v8 =	vadd.f32 v6, v5  }
0x6a: {  	s24 =	sshra.s32 s25, $0x2;
	v5 =	vld [tilespmem:s22+$0x11900]  }
0x6b: {  	s25 =	sadd.s32 $0x40, s25;
	v2 =	vld [tilespmem:s24+$0xF100];
	v6 =	vadd.f32 v10, v7;
	v7 =	vadd.f32 v9, v8  }
0x6c: {  	v8 =	vld [tilespmem:s24+$0xF600]  }
0x6d: {  	v9 =	vld [tilespmem:s22+$0x12300];
	v3 =	vadd.f32 v3, v7  }
0x6e: {  	v52 =	vld [tilespmem:s24+$0xFB00]  }
0x6f: {  	v10 =	vld [tilespmem:s22+$0x12800];
	v4 =	vadd.f32 v4, v6;
	[tilespmem:s23+$0x14100] =	vst v3  }
0x70: {  	v3 =	vld [tilespmem:s24+$0x10000]  }
0x71: {  	v4 =	vadd.f32 v5, v4;
	v2 =	vadd.f32 v8, v2  }
0x72: {  	v53 =	vld [tilespmem:s24+$0x10500]  }
0x73: {  	v54 =	vld [tilespmem:s22+$0x12D00];
	v1 =	vadd.f32 v1, v4;
	v2 =	vadd.f32 v52, v2  }
0x74: {  	v55 =	vld [tilespmem:s24+$0x10A00]  }
0x75: {  	v56 =	vld [tilespmem:s22+$0x13200];
	v1 =	vadd.f32 v9, v1;
	v2 =	vadd.f32 v3, v2  }
0x76: {  	v3 =	vld [tilespmem:s24+$0x10F00]  }
0x77: {  	v57 =	vld [tilespmem:s22+$0x13700];
	v1 =	vadd.f32 v10, v1;
	v2 =	vadd.f32 v53, v2  }
0x78: {  	v58 =	vld [tilespmem:s24+$0x11400]  }
0x79: {  	v59 =	vld [tilespmem:s22+$0x13C00];
	v1 =	vadd.f32 v54, v1;
	v2 =	vadd.f32 v55, v2  }
0x7a: {  	v60 =	vld [tilespmem:s24+$0x11900]  }
0x7b: {  	v1 =	vadd.f32 v56, v1;
	v2 =	vadd.f32 v3, v2  }
0x7c: {  	v3 =	vld [tilespmem:s24+$0x11E00]  }
0x7d: {  	v1 =	vadd.f32 v57, v1;
	v2 =	vadd.f32 v58, v2  }
0x7e: {  	v61 =	vld [tilespmem:s24+$0x12300]  }
0x7f: {  	v1 =	vadd.f32 v59, v1;
	v2 =	vadd.f32 v60, v2  }
0x80: {  	v62 =	vld [tilespmem:s24+$0x12800]  }
0x81: {  	[tilespmem:s22+$0x14100] =	vst v1;
	v1 =	vadd.f32 v3, v2  }
0x82: {  	v2 =	vld [tilespmem:s24+$0x12D00]  }
0x83: {  	v1 =	vadd.f32 v61, v1  }
0x84: {  	v3 =	vld [tilespmem:s24+$0x13200]  }
0x85: {  	v1 =	vadd.f32 v62, v1  }
0x86: {  	v63 =	vld [tilespmem:s24+$0x13700]  }
0x87: {  	v1 =	vadd.f32 v2, v1  }
0x88: {  	v2 =	vld [tilespmem:s24+$0x13C00]  }
0x89: {  	v1 =	vadd.f32 v3, v1;
	_ =	sdelay $0x1  }
0x8a: {  	v1 =	vadd.f32 v63, v1;
	_ =	sdelay $0x1  }
0x8b: {  	s21 =	sadd.s32 $0x1, s21;
	v1 =	vadd.f32 v2, v1  }
0x8c: {  	p0 =	sne.s32 s21, s9  }
.Ltmp3:
0x8d: {  	[tilespmem:s24+$0x14100] =	vst v1;
	(pc) =	sbr.rel @p0 .LBB2_1-.Ltmp3, $4  }
0x8e: {  	[hbm4b:s8+s2] =	stream.linear.scatter [tilespmem:s20], [sflag:$0x4], $0x500, $0x38;
	[tilespmem:$0x19600] =	vst v63  }
0x8f: {  	_ =	swait.ge [sflag:s16], $0x500  }
0x90: {  	[sflag:s16] =	ssyncset.done $0x0  }
0x91: {  	[sflag:s16] =	ssyncadd.s32 $0xFFFFFB00  }
0x92: {  	_ =	sfence.sel $0x180000  }
0x93: {  	[bflag:$0x0] =	sbarrier.arrive $0xFFFF  }
0x94: {  	p0 =	sne.s32 s1, $0x0;
	_ =	strace $0x9000004D  }
0x95: {  	s0 =	sadd.s32 @!p0 $0x100000, s0;
	[bflag:$0x2] =	sbarrier.arrive $0xFFFF  }
0x96: {  	[sflag:s0] =	ssyncadd.tile.s32 @!p0 $0x1;
	_ =	shalt  }
.Lfunc_end2:
_tile_overlayer_lowered:
.L_overlay_start_2:
0x97: {  	(tag) =	ssettag $0x2  }
0x98: {  	s0 =	rddreg [dreg:$0x0];
	s2 =	stileid.u32  }
0x99: {  	s1 =	rddreg [dreg:$0x1];
	p0 =	sne.s32 s2, $0x0  }
0x9a: {  	s3 =	rddreg [dreg:$0x2];
	[bflag:$0x3] =	sbarrier.arrive $0xFFFF;
	s2 =	simm.s32 @!p0 $0x1C04  }
0x9b: {  	[timem:s3], [sflag:s2] =	dma.local @!p0 [hbm:s0], s1  }
0x9c: {  	s0 =	simm.s32 @!p0 $0x4  }
0x9d: {  	_ =	swait.ge @!p0 [sflag:s0], s1  }
0x9e: {  	s1 =	ssub.s32 @!p0 $0x0, s1;
	[sflag:s0] =	ssyncset.done @!p0 $0x0  }
0x9f: {  	[sflag:s0] =	ssyncadd.s32 @!p0 s1  }
0xa0: {  	[bflag:$0x3] =	sbarrier.arrive $0xFFFF  }
0xa1: {  	_ =	shalt  }

// kernel: kernel.9.cloned.1.call-start
scs
__scs_entry_jumppad:
0x0: {  	(pc) =	sbr.rel $0x88, $3  }
0x1: {  	(tag) =	ssettag $0x0;
	lr =	simm.s32 $0x1  }
0x2: {  	[smem:$0x3F9B] =	sst lr;
	_ =	strace $0xD0000000  }
0x3: {  	_ = 	snop  }
0x4: {  	_ = 	snop  }
0x5: {  	_ = 	snop  }
0x6: {  	_ = 	snop  }
0x7: {  	_ = 	snop  }
__scs_overlays_trampoline_lowered:
0x8: {  	[smem:$0x3FAA] =	sst s0  }
0x9: {  	[smem:$0x3FAB] =	sst s1  }
0xa: {  	[smem:$0x3FAC] =	sst s2  }
0xb: {  	[smem:$0x3FAD] =	sst s3  }
0xc: {  	[smem:$0x3FAE] =	sst s4  }
0xd: {  	[smem:$0x3FAF] =	sst s5  }
0xe: {  	[smem:$0x3FB0] =	sst s6  }
0xf: {  	[smem:$0x3FB1] =	sst s7  }
0x10: {  	[smem:$0x3FB2] =	sst s8  }
0x11: {  	[smem:$0x3FB3] =	sst s9;
	s0 =	simm.s32 @!p0 $0x0  }
0x12: {  	s1 =	sld [smem:$0x3F99];
	s0 =	simm.s32 @p0 $0x1  }
0x13: {  	[smem:$0x3FB4] =	sst s0;
	s0 =	simm.s32 @!p1 $0x0  }
0x14: {  	s2 =	sld [smem:$0x3F98];
	s0 =	simm.s32 @p1 $0x1  }
0x15: {  	[smem:$0x3FB5] =	sst s0;
	s0 =	simm.s32 @!p2 $0x0  }
0x16: {  	s3 =	sld [smem:$0x3FDB];
	s0 =	simm.s32 @p2 $0x1  }
0x17: {  	s4 =	simm.s32 $0x1BF5;
	[smem:$0x3FB7] =	sst s0  }
0x18: {  	s0 =	sld [smem:$0x3F9A];
	_ =	swait.ge [sflag:s4], $0x0  }
0x19: {  	s7 =	sld [smem:$0x3F9B]  }
0x1a: {  	s8 =	sadd.s32 $0xFFFFE003, lr  }
0x1b: {  	s9 =	sadd.s32 $0xFFFFFEF7, lr;
	s5 =	simm.s32 $0xFFFFFFFF;
	p2 =	slt.u32 s8, $0xFFFFF086  }
0x1c: {  	p1 =	slt.u32 s9, $0xF7A;
	s5 =	simm.s32 @!p2 $0x0  }
0x1d: {  	s5 =	simm.s32 @p1 $0x1;
	p0 =	seq.s32 s7, s2  }
0x1e: {  	s7 =	smul.u32 @!p0 $0xF7A, s2;
	p2 =	seq.s32 @!p0 s5, $0x0  }
0x1f: {  	s9 =	smul.u32 $0xF7A, s1;
	s8 =	simm.s32 @!p0 $0x1BF5;
	p2 =	por !p2, p0  }
0x20: {  	[sflag:s8] =	ssyncset.s32 @!p0 $0xFFFFF086;
	s6 =	sadd.s32 @!p0 s3, s7;
	s7 =	simm.s32 @!p0 $0x108  }
0x21: {  	s3 =	sadd.s32 s3, s9;
	s6 =	sadd.s32 @!p0 $0x88, s6;
	s7 =	simm.s32 @p2 $0x1082  }
0x22: {  	[simem:s7], [sflag:s8] =	dma.local @!p0 [hbm:s6], $0xF7A  }
0x23: {  	s9 =	sor.u32 $0xD0000000, s2;
	s6 =	simm.s32 $0x108;
	_ =	swait.ge @!p0 [sflag:s8], $0x0  }
0x24: {  	s3 =	sadd.s32 $0x88, s3;
	s6 =	simm.s32 @!p1 $0x1082;
	[sflag:s4] =	ssyncset.s32 $0xFFFFF086  }
0x25: {  	[simem:s6], [sflag:s4] =	dma.local [hbm:s3], $0xF7A  }
0x26: {  	[smem:$0x3F9B] =	sst s1;
	(tag) =	ssettag s2;
	_ =	strace s9  }
0x27: {  	s1 =	sld [smem:$0x3FAB]  }
0x28: {  	s2 =	sld [smem:$0x3FAC]  }
0x29: {  	s4 =	sld [smem:$0x3FAE]  }
0x2a: {  	p0 =	seq.s32 s5, $0x0;
	s5 =	sld [smem:$0x3FAF]  }
0x2b: {  	s6 =	sld [smem:$0x3FB0]  }
0x2c: {  	s7 =	sld [smem:$0x3FB1]  }
0x2d: {  	s3 =	simm.s32 $0x108;
	s8 =	sld [smem:$0x3FB2]  }
0x2e: {  	s3 =	simm.s32 @!p0 $0x1082;
	s9 =	sld [smem:$0x3FB3]  }
0x2f: {  	lr =	sadd.s32 s0, s3;
	s0 =	sld [smem:$0x3FAA]  }
0x30: {  	s3 =	sld [smem:$0x3FAD]  }
0x31: {  	[smem:$0x3FB6] =	sst s10  }
0x32: {  	s10 =	sld [smem:$0x3FB4];
	_ =	sdelay $0x3  }
0x33: {  	p0 =	seq.s32 s10, $0x1;
	s10 =	sld [smem:$0x3FB6];
	_ =	sdelay $0x3  }
0x34: {  	[smem:$0x3FB6] =	sst s10  }
0x35: {  	s10 =	sld [smem:$0x3FB5];
	_ =	sdelay $0x3  }
0x36: {  	p1 =	seq.s32 s10, $0x1;
	s10 =	sld [smem:$0x3FB6];
	_ =	sdelay $0x3  }
0x37: {  	[smem:$0x3FB6] =	sst s10  }
0x38: {  	s10 =	sld [smem:$0x3FB7]  }
0x39: {  	_ = 	snop;
	(pc) =	sbr.ind lr, $3  }
0x3a: {  	_ = 	snop  }
0x3b: {  	_ = 	snop  }
0x3c: {  	p2 =	seq.s32 s10, $0x1;
	s10 =	sld [smem:$0x3FB6]  }
0x3d: {  	_ =	shalt  }
0x3e: {  	_ =	shalt  }
0x3f: {  	_ =	shalt  }
0x40: {  	_ =	shalt  }
0x41: {  	_ =	shalt  }
0x42: {  	_ =	shalt  }
0x43: {  	_ =	shalt  }
0x44: {  	_ =	shalt  }
0x45: {  	_ =	shalt  }
0x46: {  	_ =	shalt  }
0x47: {  	_ =	shalt  }
0x48: {  	_ =	shalt  }
0x49: {  	_ =	shalt  }
0x4a: {  	_ =	shalt  }
0x4b: {  	_ =	shalt  }
0x4c: {  	_ =	shalt  }
0x4d: {  	_ =	shalt  }
0x4e: {  	_ =	shalt  }
0x4f: {  	_ =	shalt  }
0x50: {  	_ =	shalt  }
0x51: {  	_ =	shalt  }
0x52: {  	_ =	shalt  }
0x53: {  	_ =	shalt  }
0x54: {  	_ =	shalt  }
0x55: {  	_ =	shalt  }
0x56: {  	_ =	shalt  }
0x57: {  	_ =	shalt  }
0x58: {  	_ =	shalt  }
0x59: {  	_ =	shalt  }
0x5a: {  	_ =	shalt  }
0x5b: {  	_ =	shalt  }
0x5c: {  	_ =	shalt  }
0x5d: {  	_ =	shalt  }
0x5e: {  	_ =	shalt  }
0x5f: {  	_ =	shalt  }
0x60: {  	_ =	shalt  }
0x61: {  	_ =	shalt  }
0x62: {  	_ =	shalt  }
0x63: {  	_ =	shalt  }
0x64: {  	_ =	shalt  }
0x65: {  	_ =	shalt  }
0x66: {  	_ =	shalt  }
0x67: {  	_ =	shalt  }
0x68: {  	_ =	shalt  }
0x69: {  	_ =	shalt  }
0x6a: {  	_ =	shalt  }
0x6b: {  	_ =	shalt  }
0x6c: {  	_ =	shalt  }
0x6d: {  	_ =	shalt  }
0x6e: {  	_ =	shalt  }
0x6f: {  	_ =	shalt  }
0x70: {  	_ =	shalt  }
0x71: {  	_ =	shalt  }
0x72: {  	_ =	shalt  }
0x73: {  	_ =	shalt  }
0x74: {  	_ =	shalt  }
0x75: {  	_ =	shalt  }
0x76: {  	_ =	shalt  }
0x77: {  	_ =	shalt  }
0x78: {  	_ =	shalt  }
0x79: {  	_ =	shalt  }
0x7a: {  	_ =	shalt  }
0x7b: {  	_ =	shalt  }
0x7c: {  	_ =	shalt  }
0x7d: {  	_ =	shalt  }
0x7e: {  	_ =	shalt  }
0x7f: {  	_ =	shalt  }
0x80: {  	_ =	shalt  }
0x81: {  	_ =	shalt  }
0x82: {  	_ =	shalt  }
0x83: {  	_ =	shalt  }
0x84: {  	_ =	shalt  }
0x85: {  	_ =	shalt  }
0x86: {  	_ =	shalt  }
0x87: {  	_ =	shalt  }
.Lfunc_end0:
.L_simem_size_0:
called_computation_lowered:
.L_overlay_start_0:
0x88: {  	s2 =	sld [smem:$0x3FD9]  }
0x89: {  	s3 =	sld [smem:$0x3FFE];
	_ =	sdelay $0x1  }
0x8a: {  	s1 =	srdreg.scid  }
0x8b: {  	s0 =	sand.u32 $0x1, s1  }
0x8c: {  	s16 =	sshll.u32 s0, $0xA;
	s2 =	sadd.s32 s3, s2  }
0x8d: {  	s2 =	sadd.s32 s2, s16  }
0x8e: {  	[smem:$0x3FC2] =	sst s2  }
0x8f: {  	_ = 	snop  }
0x90: {  	(tm) =	ssettm $0x1  }
0x91: {  	s17 =	sld [smem:$0x3FFB];
	_ =	sdelay $0x3  }
0x92: {  	_ =	strace s17  }
0x93: {  	s2 =	sld [smem:$0x3FFC];
	_ =	sdelay $0x3  }
0x94: {  	_ =	strace s2  }
0x95: {  	s2 =	sld [smem:$0x3FFD];
	_ =	sdelay $0x3  }
0x96: {  	_ =	strace s2  }
0x97: {  	_ =	strace $0x8FFFFFFF  }
0x98: {  	s18 =	sld [smem:$0x3FDB];
	_ =	sdelay $0x1  }
0x99: {  	s19 =	simm.s32 $_scs_section_size  }
0x9a: {  	s4 =	simm.s32 $_size__tile_overlayer_lowered;
	s5 =	simm.s32 $_tile_overlayer_lowered  }
0x9b: {  	s22 =	simm.s32 $0x1BFF;
	s21 =	sshll.u32 s5, $0x1;
	s2 =	sadd.s32 s19, s18  }
0x9c: {  	s6 =	simm.s32 $0x0;
	s20 =	sshll.u32 s4, $0x1;
	s4 =	sadd.s32 s21, s2  }
0x9d: {  	[timem:s6], [sflag:s22] =	dma.local [hbm:s4], s20  }
0x9e: {  	_ =	swait.ge [sflag:s22], s20  }
0x9f: {  	s3 =	ssub.s32 $0x0, s20;
	[sflag:s22] =	ssyncset.done $0x0  }
0xa0: {  	[sflag:s22] =	ssyncadd.s32 s3;
	_ =	sdelay $0x1  }
0xa1: {  	s23 =	simm.s32 $0x1B8B  }
0xa2: {  	_ =	swait.ge [sflag:s23], $0x1  }
0xa3: {  	[sflag:s23] =	ssyncset.done $0x0  }
0xa4: {  	s25 =	simm.s32 $0x1B8E;
	s24 =	sld [smem:$0x3FFE];
	[sflag:s23] =	ssyncadd.s32 $0xFFFFFFFF  }
0xa5: {  	s26 =	simm.s32 $execute0_lowered;
	[smem:$0x3FD2] =	sst s25  }
0xa6: {  	s4 =	sshll.u32 s26, $0x1;
	_ =	strace $0x80000046;
	[dreg:$0x1] =	wrdreg $0xFFFFFFFF  }
0xa7: {  	s28 =	simm.s32 $_size_execute0_lowered;
	s2 =	sadd.s32 s2, s4;
	[dreg:$0x0] =	wrdreg $0x0  }
0xa8: {  	s4 =	sshll.u32 s28, $0x1;
	[dreg:$0x2] =	wrdreg s2  }
0xa9: {  	[dreg:$0x3] =	wrdreg s4  }
0xaa: {  	[dreg:$0x4] =	wrdreg $0xC0  }
0xab: {  	_ =	task [dreg:s6], $0x5FFFF  }
0xac: {  	[dreg:$0x1] =	wrdreg $0xFFFFFFFF  }
0xad: {  	[dreg:$0x0] =	wrdreg $0x60  }
0xae: {  	[dreg:$0x2] =	wrdreg s24  }
0xaf: {  	[dreg:$0x3] =	wrdreg $0x7B000  }
0xb0: {  	[dreg:$0x4] =	wrdreg $0x9  }
0xb1: {  	_ =	task.clear_ibuf [dreg:s6], $0x5FFFF;
	_ =	strace $0x90000046  }
0xb2: {  	s29 =	simm.s32 $0x9;
	_ =	strace $0x80000048  }
0xb3: {  	_ =	swait.ge [sflag:s29], $0x1  }
0xb4: {  	[sflag:s29] =	ssyncadd.s32 $0xFFFFFFFF  }
0xb5: {  	_ =	strace $0x90000048  }
0xb6: {  	_ =	sfence  }
0xb7: {  	s30 =	sld [smem:$0x0];
	_ =	sdelay $0x2  }
0xb8: {  	s31 =	sshll.u32 s1, $0xD;
	s1 =	sshrl.u32 s1, $0x2  }
0xb9: {  	s3 =	sand.u32 $0x4000, s31;
	s1 =	sadd.s32 s1, s30  }
0xba: {  	s0 =	sor.u32 s3, s0;
	s1 =	sshll.u32 s1, $0x11  }
0xbb: {  	s0 =	sor.u32 s1, s0  }
0xbc: {  	s0 =	sadd.s32 $0x8F2B, s0  }
0xbd: {  	[sflag:s0] =	ssyncadd.remote.s32 $0x1  }
0xbe: {  	_ =	sfence.sel $0xFFFF  }
0xbf: {  	[dreg:$0x0] =	wrdreg $0xFFFFFFFF;
	(pc) =	sbr.abs _section_cstart, $3  }
0xc0: {  	[dreg:$0x1] =	wrdreg $0xFFFFFFFF  }
0xc1: {  	_ =	task.clear_ibuf [dreg:s6], $0x2FFFF;
	_ =	strace $0x9FFFFFFF  }
0xc2: {  	(tm) =	ssettm $0x7FFFFFFF  }
0xc3: {  	_ =	shalt  }
tec
execute0_lowered:
.L_overlay_start_1:
0x0: {  	(tag) =	ssettag $0x1  }
0x1: {  	s3 =	rddreg [dreg:$0x0]  }
0x2: {  	s5 =	rddreg [dreg:$0x1];
	s2 =	srdreg.scid  }
0x3: {  	s0 =	rddreg [dreg:$0x2];
	s1 =	stileid.u32  }
0x4: {  	s11 =	simm.s32 $0x2800;
	s12 =	simm.s32 $0x5080;
	s13 =	simm.s32 $0x7880  }
0x5: {  	s14 =	simm.s32 $0x0;
	s4 =	sand.u32 $0x1, s2;
	s7 =	smul.u32 $0x280, s1  }
0x6: {  	s2 =	simm.s32 $0x0;
	s9 =	smul.u32 $0xA000, s1;
	s6 =	sshll.u32 s4, $0x4  }
0x7: {  	[smem:$0x7FF] =	sst s2;
	s8 =	smul.u32 $0x2800, s4;
	s4 =	ssub.s32 $0x2, s4  }
0x8: {  	s6 =	sor.u32 s1, s6;
	_ =	strace $0x80000047;
	s10 =	sshrl.u32 s4, $0x1  }
0x9: {  	s31 =	sshrl.u32 s9, $0x2;
	s9 =	simm.s32 $0x2880;
	s6 =	smul.u32 $0x510, s6  }
0xa: {  	s8 =	sadd.s32 s7, s8;
	s10 =	ssub.s32 s4, s10;
	s4 =	sadd.s32 s31, s5  }
0xb: {  	s5 =	sadd.s32 s7, s5;
	s8 =	sshrl.u32 s8, $0x3;
	s7 =	smax.u32 s10, $0x1  }
0xc: {  	s10 =	simm.s32 $0x280;
	s6 =	sadd.s32 s6, s3;
	s8 =	sadd.s32 s8, s3  }
0xd: {  	v0 =	vimm.f32 $0.0e+00;
	v1 =	vimm.f32 $1.000000000e+00;
	s3 =	sadd.s32 $0xC200, s6;
	s6 =	sadd.s32 $0x16400, s8;
	s8 =	simm.s32 $0x1  }
.LBB2_1:
0xe: {  	[tilespmem:s2], [sflag:$0x1] =	stream.linear.gather [hbm4b:s3+s2], $0x2880, $0x38;
	[tilespmem:$0xA300] =	vst v63  }
0xf: {  	_ =	swait.ge [sflag:s8], $0x2880  }
0x10: {  	[sflag:s8] =	ssyncset.done $0x0  }
0x11: {  	s15 =	simm.s32 $0x0;
	[sflag:s8] =	ssyncadd.s32 $0xFFFFD780  }
.LBB2_2:
0x12: {  	p0 =	sne.s32 s15, $0x9FC0  }
.Ltmp0:
0x13: {  	_ = 	snop;
	(pc) =	sbr.rel @p0 .LBB2_2-.Ltmp0, $3  }
0x14: {  	_ =	sdelay $0x1  }
0x15: {  	s16 =	sshra.s32 s15, $0x2  }
0x16: {  	s15 =	sadd.s32 $0x40, s15;
	[tilespmem:s16+$0x2880] =	vst v0  }
0x17: {  	s16 =	simm.s32 $0x0;
	s15 =	simm.s32 $0x40  }
.LBB2_4:
0x18: {  	p0 =	sne.s32 s15, $0xA1C0;
	v2 =	vld [tilespmem:s16+$0x0];
	_ =	sdelay $0x3  }
.Ltmp1:
0x19: {  	(pc) =	sbr.rel @p0 .LBB2_4-.Ltmp1, $2  }
0x1a: {  	_ =	sdelay $0x2  }
0x1b: {  	s16 =	sshra.s32 s15, $0x2;
	s15 =	sadd.s32 $0x40, s15;
	[tilespmem:v2+s9+$0x0] =	vst.idx.add.f32.msk $0xffff, v1  }
0x1c: {  	v2 =	vld [tilespmem:s16+$0x0];
	_ =	sdelay $0x7  }
0x1d: {  	[tilespmem:v2+s9+$0x0] =	vst.idx.add.f32.msk $0xffff, v1  }
0x1e: {  	[spmem:s4] =	stream.linear.scatter [tilespmem:s9], [sflag:$0x1], $0x2800, $0x38;
	[tilespmem:$0xA300] =	vst v63  }
0x1f: {  	_ =	swait.ge [sflag:s8], $0x2800  }
0x20: {  	[sflag:s8] =	ssyncset.done $0x0  }
0x21: {  	[sflag:s8] =	ssyncadd.s32 $0xFFFFD800  }
0x22: {  	[bflag:$0x0] =	sbarrier.arrive $0xFFFF  }
0x23: {  	[tilespmem:s12], [sflag:$0x1] =	stream.strided.gather [spmem:s5], $0x2800, s11, s10, $0x38;
	[tilespmem:$0xA300] =	vst v63  }
0x24: {  	_ =	swait.ge [sflag:s8], $0x2800  }
0x25: {  	[sflag:s8] =	ssyncset.done $0x0  }
0x26: {  	s16 =	simm.s32 $0x0;
	[sflag:s8] =	ssyncadd.s32 $0xFFFFD800  }
0x27: {  	v2 =	vld [tilespmem:s16+$0x5080]  }
0x28: {  	v3 =	vld [tilespmem:s16+$0x5300];
	_ =	sdelay $0x1  }
0x29: {  	v4 =	vld [tilespmem:s16+$0x5580];
	_ =	sdelay $0x1  }
0x2a: {  	v5 =	vld [tilespmem:s16+$0x5800]  }
0x2b: {  	v2 =	vadd.f32 v3, v2  }
0x2c: {  	v3 =	vld [tilespmem:s16+$0x5A80]  }
0x2d: {  	v2 =	vadd.f32 v4, v2  }
0x2e: {  	v4 =	vld [tilespmem:s16+$0x5D00]  }
0x2f: {  	v2 =	vadd.f32 v5, v2  }
0x30: {  	v5 =	vld [tilespmem:s16+$0x5F80]  }
0x31: {  	v2 =	vadd.f32 v3, v2  }
0x32: {  	v3 =	vld [tilespmem:s16+$0x6200]  }
0x33: {  	s15 =	simm.s32 $0x10;
	v6 =	vld [tilespmem:s16+$0x6480];
	v2 =	vadd.f32 v4, v2  }
0x34: {  	v7 =	vld [tilespmem:s15+$0x5080]  }
0x35: {  	v4 =	vld [tilespmem:s16+$0x6700];
	v2 =	vadd.f32 v5, v2  }
0x36: {  	v5 =	vld [tilespmem:s15+$0x5300]  }
0x37: {  	v8 =	vld [tilespmem:s15+$0x5580];
	v2 =	vadd.f32 v3, v2  }
0x38: {  	v3 =	vld [tilespmem:s16+$0x6980]  }
0x39: {  	v9 =	vld [tilespmem:s15+$0x5800];
	v2 =	vadd.f32 v6, v2  }
0x3a: {  	v6 =	vld [tilespmem:s16+$0x6C00]  }
0x3b: {  	v5 =	vadd.f32 v5, v7;
	v7 =	vld [tilespmem:s15+$0x5A80];
	v2 =	vadd.f32 v4, v2  }
0x3c: {  	v4 =	vld [tilespmem:s16+$0x6E80]  }
0x3d: {  	v5 =	vadd.f32 v8, v5;
	v8 =	vld [tilespmem:s15+$0x5D00];
	v2 =	vadd.f32 v3, v2  }
0x3e: {  	v3 =	vld [tilespmem:s16+$0x7100]  }
0x3f: {  	v10 =	vld [tilespmem:s15+$0x5F80];
	v5 =	vadd.f32 v9, v5;
	v2 =	vadd.f32 v6, v2  }
0x40: {  	v9 =	vld [tilespmem:s16+$0x7380]  }
0x41: {  	v6 =	vadd.f32 v7, v5;
	v5 =	vld [tilespmem:s15+$0x6200];
	v7 =	vadd.f32 v4, v2  }
0x42: {  	v4 =	vld [tilespmem:s16+$0x7600]  }
0x43: {  	v2 =	vld [tilespmem:s15+$0x6700];
	v8 =	vadd.f32 v8, v6;
	v11 =	vadd.f32 v3, v7  }
0x44: {  	s17 =	simm.s32 $0x20;
	v6 =	vld [tilespmem:s15+$0x6480]  }
0x45: {  	s18 =	simm.s32 $0xC0;
	v3 =	vld [tilespmem:s17+$0x5080];
	v7 =	vadd.f32 v10, v8;
	v8 =	vadd.f32 v9, v11  }
.LBB2_6:
0x46: {  	p0 =	sne.s32 s18, $0x9C0;
	v9 =	vld [tilespmem:s17+$0x5300]  }
0x47: {  	v5 =	vadd.f32 v5, v7;
	v7 =	vld [tilespmem:s15+$0x6980];
	v4 =	vadd.f32 v4, v8  }
0x48: {  	v8 =	vld [tilespmem:s17+$0x5580]  }
0x49: {  	v5 =	vadd.f32 v6, v5;
	v6 =	vld [tilespmem:s15+$0x6C00];
	[tilespmem:s16+$0x7880] =	vst v4;
	s16 =	smov.u32 s15;
	s15 =	smov.u32 s17  }
0x4a: {  	v4 =	vld [tilespmem:s15+$0x5800]  }
0x4b: {  	v3 =	vadd.f32 v9, v3;
	v2 =	vadd.f32 v2, v5;
	v5 =	vld [tilespmem:s16+$0x6E80]  }
0x4c: {  	v9 =	vld [tilespmem:s15+$0x5A80]  }
0x4d: {  	v3 =	vadd.f32 v8, v3;
	v2 =	vadd.f32 v7, v2;
	v7 =	vld [tilespmem:s16+$0x7100]  }
0x4e: {  	v8 =	vld [tilespmem:s15+$0x5D00]  }
0x4f: {  	v3 =	vadd.f32 v4, v3;
	v2 =	vadd.f32 v6, v2;
	v10 =	vld [tilespmem:s16+$0x7380]  }
0x50: {  	v11 =	vld [tilespmem:s15+$0x5F80]  }
.Ltmp2:
0x51: {  	v3 =	vadd.f32 v9, v3;
	v6 =	vadd.f32 v5, v2;
	v4 =	vld [tilespmem:s16+$0x7600];
	(pc) =	sbr.rel @p0 .LBB2_6-.Ltmp2, $4  }
0x52: {  	v5 =	vld [tilespmem:s15+$0x6200]  }
0x53: {  	v8 =	vadd.f32 v8, v3;
	v2 =	vld [tilespmem:s15+$0x6700];
	v9 =	vadd.f32 v7, v6  }
0x54: {  	s17 =	sshra.s32 s18, $0x2;
	v6 =	vld [tilespmem:s15+$0x6480]  }
0x55: {  	s18 =	sadd.s32 $0x40, s18;
	v3 =	vld [tilespmem:s17+$0x5080];
	v7 =	vadd.f32 v11, v8;
	v8 =	vadd.f32 v10, v9  }
0x56: {  	v9 =	vld [tilespmem:s17+$0x5300]  }
0x57: {  	v10 =	vld [tilespmem:s15+$0x6980];
	v4 =	vadd.f32 v4, v8  }
0x58: {  	v49 =	vld [tilespmem:s17+$0x5580]  }
0x59: {  	v11 =	vld [tilespmem:s15+$0x6C00];
	v5 =	vadd.f32 v5, v7;
	[tilespmem:s16+$0x7880] =	vst v4  }
0x5a: {  	v4 =	vld [tilespmem:s17+$0x5800]  }
0x5b: {  	v5 =	vadd.f32 v6, v5;
	v3 =	vadd.f32 v9, v3  }
0x5c: {  	v50 =	vld [tilespmem:s17+$0x5A80]  }
0x5d: {  	v51 =	vld [tilespmem:s15+$0x6E80];
	v2 =	vadd.f32 v2, v5;
	v3 =	vadd.f32 v49, v3  }
0x5e: {  	v52 =	vld [tilespmem:s17+$0x5D00]  }
0x5f: {  	v53 =	vld [tilespmem:s15+$0x7100];
	v2 =	vadd.f32 v10, v2;
	v3 =	vadd.f32 v4, v3  }
0x60: {  	v54 =	vld [tilespmem:s17+$0x5F80]  }
0x61: {  	v55 =	vld [tilespmem:s15+$0x7380];
	v2 =	vadd.f32 v11, v2;
	v3 =	vadd.f32 v50, v3  }
0x62: {  	v56 =	vld [tilespmem:s17+$0x6200]  }
0x63: {  	v57 =	vld [tilespmem:s15+$0x7600];
	v2 =	vadd.f32 v51, v2;
	v3 =	vadd.f32 v52, v3  }
0x64: {  	v58 =	vld [tilespmem:s17+$0x6480]  }
0x65: {  	v2 =	vadd.f32 v53, v2;
	v3 =	vadd.f32 v54, v3  }
0x66: {  	v59 =	vld [tilespmem:s17+$0x6700]  }
0x67: {  	v2 =	vadd.f32 v55, v2;
	v3 =	vadd.f32 v56, v3  }
0x68: {  	v60 =	vld [tilespmem:s17+$0x6980]  }
0x69: {  	v2 =	vadd.f32 v57, v2;
	v3 =	vadd.f32 v58, v3  }
0x6a: {  	v61 =	vld [tilespmem:s17+$0x6C00]  }
0x6b: {  	[tilespmem:s15+$0x7880] =	vst v2;
	v2 =	vadd.f32 v59, v3  }
0x6c: {  	v3 =	vld [tilespmem:s17+$0x6E80]  }
0x6d: {  	v2 =	vadd.f32 v60, v2  }
0x6e: {  	v62 =	vld [tilespmem:s17+$0x7100]  }
0x6f: {  	v2 =	vadd.f32 v61, v2  }
0x70: {  	v63 =	vld [tilespmem:s17+$0x7380]  }
0x71: {  	v2 =	vadd.f32 v3, v2  }
0x72: {  	v3 =	vld [tilespmem:s17+$0x7600]  }
0x73: {  	v2 =	vadd.f32 v62, v2;
	_ =	sdelay $0x1  }
0x74: {  	v2 =	vadd.f32 v63, v2;
	_ =	sdelay $0x1  }
0x75: {  	s14 =	sadd.s32 $0x1, s14;
	v2 =	vadd.f32 v3, v2  }
0x76: {  	p0 =	sne.s32 s14, s7  }
.Ltmp3:
0x77: {  	[tilespmem:s17+$0x7880] =	vst v2;
	(pc) =	sbr.rel @p0 .LBB2_1-.Ltmp3, $4  }
0x78: {  	[hbm4b:s6+s2] =	stream.linear.scatter [tilespmem:s13], [sflag:$0x1], $0x280, $0x38;
	[tilespmem:$0xA300] =	vst v63  }
0x79: {  	_ =	swait.ge [sflag:s8], $0x280  }
0x7a: {  	[sflag:s8] =	ssyncset.done $0x0  }
0x7b: {  	[sflag:s8] =	ssyncadd.s32 $0xFFFFFD80  }
0x7c: {  	_ =	sfence.sel $0x180000  }
0x7d: {  	[bflag:$0x0] =	sbarrier.arrive $0xFFFF  }
0x7e: {  	p0 =	sne.s32 s1, $0x0;
	_ =	strace $0x90000047  }
0x7f: {  	s0 =	sadd.s32 @!p0 $0x100000, s0;
	[bflag:$0x2] =	sbarrier.arrive $0xFFFF  }
0x80: {  	[sflag:s0] =	ssyncadd.tile.s32 @!p0 $0x1;
	_ =	shalt  }
.Lfunc_end2:
_tile_overlayer_lowered:
.L_overlay_start_2:
0x81: {  	(tag) =	ssettag $0x2  }
0x82: {  	s0 =	rddreg [dreg:$0x0];
	s2 =	stileid.u32  }
0x83: {  	s1 =	rddreg [dreg:$0x1];
	p0 =	sne.s32 s2, $0x0  }
0x84: {  	s3 =	rddreg [dreg:$0x2];
	[bflag:$0x3] =	sbarrier.arrive $0xFFFF;
	s2 =	simm.s32 @!p0 $0x1C01  }
0x85: {  	[timem:s3], [sflag:s2] =	dma.local @!p0 [hbm:s0], s1  }
0x86: {  	s0 =	simm.s32 @!p0 $0x1  }
0x87: {  	_ =	swait.ge @!p0 [sflag:s0], s1  }
0x88: {  	s1 =	ssub.s32 @!p0 $0x0, s1;
	[sflag:s0] =	ssyncset.done @!p0 $0x0  }
0x89: {  	[sflag:s0] =	ssyncadd.s32 @!p0 s1  }
0x8a: {  	[bflag:$0x3] =	sbarrier.arrive $0xFFFF  }
0x8b: {  	_ =	shalt  }

</sc_bundles>
